<compile_context>
chip_gen: v7x
topology: tpu7x:2x2x1
jax: 0.10.2.dev20260603
libtpu: 0.0.44.dev20260713+nightly
codegen_flags: <defaults>
</compile_context>

<pallas_src>
import functools

import jax
import jax.numpy as jnp
from jax import lax
from jax.experimental import pallas as pl
from jax.experimental.pallas import tpu as pltpu
from jax.experimental.pallas import tpu_sc as plsc

N = 10000
E = 320000
D = 128

NUM_CORES = 2
NUM_SUBCORES = 16
NW = NUM_CORES * NUM_SUBCORES
EDGES_PER_W = E // NW
CHUNK = 80
NCHUNKS = EDGES_PER_W // CHUNK
NBUF = 3
NIB = 6
GA = 2
WS = 1
IA = 4
ROWS_MAIN = 624
ROWS_TAIL = N - NUM_SUBCORES * ROWS_MAIN

MM_BLOCK = 2000


def _support_body(x_ref, w_ref, o_ref, z_ref):
    o_ref[...] = jnp.dot(x_ref[...], w_ref[...],
                         preferred_element_type=jnp.float32)
    z_ref[...] = jnp.zeros((ROWS_MAIN, D), jnp.float32)


def _combine_body(x_ref, p0_ref, p1_ref, w2_ref, w3_ref, b1_ref, b2_ref,
                  b3_ref, o_ref):
    xv = x_ref[...]
    trans = jnp.dot(xv, w2_ref[...],
                    preferred_element_type=jnp.float32) + b2_ref[...]
    gate = jax.nn.sigmoid(
        jnp.dot(xv, w3_ref[...], preferred_element_type=jnp.float32)
        + b3_ref[...])
    agg = jax.nn.relu(p0_ref[...] + p1_ref[...] + b1_ref[...])
    o_ref[...] = trans + gate * (agg - trans)


def _sc_aggregate(support, eflat, zeros):
    mesh = plsc.VectorSubcoreMesh(core_axis_name="c", subcore_axis_name="s")

    @functools.partial(
        pl.kernel,
        mesh=mesh,
        out_type=jax.ShapeDtypeStruct((NUM_CORES, N, D), jnp.float32),
        scratch_types=[
            [pltpu.VMEM((CHUNK,), jnp.int32)] * NIB,
            [pltpu.VMEM((CHUNK,), jnp.int32)] * NIB,
            [pltpu.VMEM((CHUNK, D), jnp.float32)] * NBUF,
            pltpu.VMEM_SHARED((N, D), jnp.float32),
            [pltpu.SemaphoreType.DMA] * NIB,
            [pltpu.SemaphoreType.DMA] * NBUF,
            [pltpu.SemaphoreType.DMA] * NBUF,
        ],
    )
    def agg_kernel(support_hbm, edge_hbm, zeros_hbm, out_hbm,
                   isrc, idst, rows, acc, isem, gsem, ssem):
        c = lax.axis_index("c")
        s = lax.axis_index("s")
        w = s * NUM_CORES + c

        ebase = w * EDGES_PER_W

        def fire_i(j, b):
            off = pl.multiple_of(ebase + j * CHUNK, 8)
            doff = pl.multiple_of(E + ebase + j * CHUNK, 8)
            pltpu.async_copy(edge_hbm.at[pl.ds(off, CHUNK)], isrc[b], isem[b])
            pltpu.async_copy(edge_hbm.at[pl.ds(doff, CHUNK)], idst[b],
                             isem[b])

        def wait_i(j, b):
            off = pl.multiple_of(ebase + j * CHUNK, 8)
            doff = pl.multiple_of(E + ebase + j * CHUNK, 8)
            pltpu.make_async_copy(edge_hbm.at[pl.ds(off, CHUNK)], isrc[b],
                                  isem[b]).wait()
            pltpu.make_async_copy(edge_hbm.at[pl.ds(doff, CHUNK)], idst[b],
                                  isem[b]).wait()

        def fire_g(j, u, b):
            pltpu.async_copy(support_hbm.at[isrc[b]], rows[u], gsem[u])

        def wait_g(j, u, b):
            pltpu.make_async_copy(support_hbm.at[isrc[b]], rows[u],
                                  gsem[u]).wait()

        def fire_s(j, u, b):
            pltpu.async_copy(rows[u], acc.at[idst[b]], ssem[u], add=True)

        def wait_s(j, u, b):
            pltpu.make_async_copy(rows[u], acc.at[idst[b]], ssem[u]).wait()

        def slot(j, jmod, do_ws, do_ga, do_ia):
            if do_ws:
                wait_s(j - WS, (jmod - WS) % NBUF, (jmod - WS) % NIB)
            if do_ga:
                wait_i(j + GA, (jmod + GA) % NIB)
                fire_g(j + GA, (jmod + GA) % NBUF, (jmod + GA) % NIB)
            if do_ia:
                fire_i(j + IA, (jmod + IA) % NIB)
            wait_g(j, jmod % NBUF, jmod % NIB)
            fire_s(j, jmod % NBUF, jmod % NIB)

        for j in range(IA):
            fire_i(j, j)
        for j in range(GA):
            wait_i(j, j)
            fire_g(j, j, j)

        row0 = pl.multiple_of(s * ROWS_MAIN, 8)
        pltpu.sync_copy(zeros_hbm, acc.at[pl.ds(row0, ROWS_MAIN)])

        @pl.when(s == NUM_SUBCORES - 1)
        def _zero_tail():
            pltpu.sync_copy(zeros_hbm.at[pl.ds(0, ROWS_TAIL)],
                            acc.at[pl.ds(NUM_SUBCORES * ROWS_MAIN, ROWS_TAIL)])

        plsc.subcore_barrier()

        for j in range(NIB):
            slot(j, j, j >= WS, j + GA <= NCHUNKS - 1,
                 j + IA <= NCHUNKS - 1)

        tail_len = IA + (NCHUNKS - NIB - IA) % NIB
        nsteady = (NCHUNKS - NIB - tail_len) // NIB

        def body(i, carry):
            j0 = NIB + i * NIB
            for t in range(NIB):
                slot(j0 + t, t, True, True, True)
            return carry

        lax.fori_loop(0, nsteady, body, 0)

        for j in range(NCHUNKS - tail_len, NCHUNKS):
            slot(j, j % NIB, j >= WS, j + GA <= NCHUNKS - 1,
                 j + IA <= NCHUNKS - 1)
        for j in range(NCHUNKS - WS, NCHUNKS):
            wait_s(j, j % NBUF, j % NIB)

        plsc.subcore_barrier()
        pltpu.sync_copy(acc.at[pl.ds(row0, ROWS_MAIN)],
                        out_hbm.at[c].at[pl.ds(row0, ROWS_MAIN)])

        @pl.when(s == NUM_SUBCORES - 1)
        def _write_tail():
            tail0 = NUM_SUBCORES * ROWS_MAIN
            pltpu.sync_copy(acc.at[pl.ds(tail0, ROWS_TAIL)],
                            out_hbm.at[c].at[pl.ds(tail0, ROWS_TAIL)])

    return agg_kernel(support, eflat, zeros)


def kernel(x, edge_index, w1, w2, w3, b1, b2, b3):
    grid = N // MM_BLOCK
    support = pl.pallas_call(
        _support_body,
        grid=(grid,),
        in_specs=[
            pl.BlockSpec((MM_BLOCK, D), lambda i: (i, 0)),
            pl.BlockSpec((D, D), lambda i: (0, 0)),
        ],
        out_specs=[pl.BlockSpec((MM_BLOCK, D), lambda i: (i, 0)),
                   pl.BlockSpec((ROWS_MAIN, D), lambda i: (0, 0))],
        out_shape=[jax.ShapeDtypeStruct((N, D), jnp.float32),
                   jax.ShapeDtypeStruct((ROWS_MAIN, D), jnp.float32)],
    )(x, w1)
    support, zeros = support

    partials = _sc_aggregate(support, edge_index.reshape(2 * E), zeros)

    b1r = b1.reshape(1, D)
    b2r = b2.reshape(1, D)
    b3r = b3.reshape(1, D)
    full = pl.BlockSpec((D, D), lambda i: (0, 0))
    brow = pl.BlockSpec((1, D), lambda i: (0, 0))
    nblk = pl.BlockSpec((MM_BLOCK, D), lambda i: (i, 0))
    out = pl.pallas_call(
        _combine_body,
        grid=(grid,),
        in_specs=[nblk, nblk, nblk, full, full, brow, brow, brow],
        out_specs=nblk,
        out_shape=jax.ShapeDtypeStruct((N, D), jnp.float32),
    )(x, partials[0], partials[1], w2, w3, b1r, b2r, b3r)
    return out

# --- scband reference (transcript-rebuilt; emitter-appended) ---
"""Pipeline reference for scband-gated-graph-convolution-63015760167426 (READ-ONLY COPY).

The authoritative reference and input builder live on the scoring server;
editing this copy changes nothing except your own understanding.
"""

import jax, jax.numpy as jnp
import numpy as np
import math

N = 10000
E = 320000
D_IN = 128
D_OUT = 128


def setup_inputs(seed: int = 0) -> dict:
    key = jax.random.key(seed)
    ks = jax.random.split(key, 9)
    stdv = 1.0 / math.sqrt(D_OUT)
    x = jax.random.normal(ks[0], (N, D_IN), dtype=jnp.float32)
    edge_index = jax.random.randint(ks[1], (2, E), 0, N, dtype=jnp.int32)
    w1 = jax.random.uniform(ks[2], (D_IN, D_OUT), dtype=jnp.float32, minval=-stdv, maxval=stdv)
    w2 = jax.random.uniform(ks[3], (D_IN, D_OUT), dtype=jnp.float32, minval=-stdv, maxval=stdv)
    w3 = jax.random.uniform(ks[4], (D_IN, D_OUT), dtype=jnp.float32, minval=-stdv, maxval=stdv)
    b1 = jax.random.uniform(ks[5], (D_OUT,), dtype=jnp.float32, minval=-stdv, maxval=stdv)
    b2 = jax.random.uniform(ks[6], (D_OUT,), dtype=jnp.float32, minval=-stdv, maxval=stdv)
    b3 = jax.random.uniform(ks[7], (D_OUT,), dtype=jnp.float32, minval=-stdv, maxval=stdv)
    return {"x": x, "edge_index": edge_index, "w1": w1, "w2": w2, "w3": w3, "b1": b1, "b2": b2, "b3": b3}


def reference(x, edge_index, w1, w2, w3, b1, b2, b3):
    # Dense projections
    support = x @ w1
    trans = x @ w2
    gate = x @ w3
    # Sparse adjacency matmul: adj @ support, adj built from edge_index with value 1
    # adj[dst, src] = 1  ->  output[dst] = sum over incoming edges of support[src]
    src = edge_index[0]
    dst = edge_index[1]
    gathered = jnp.take(support, src, axis=0)          # gather (SparseCore)
    output = jax.ops.segment_sum(gathered, dst, num_segments=x.shape[0])  # scatter-add
    output = output + b1
    trans = trans + b2
    gate = gate + b3
    gate = jax.nn.sigmoid(gate)
    output = jax.nn.relu(output)
    return trans + gate * (output - trans)

if __name__ == "__main__":
    import jax
    _d = setup_inputs()
    print(jax.jit(kernel)(*tuple(_d.values())))

</pallas_src>

<mosaic_0001>
#map = affine_map<(d0, d1) -> (0, 0)>
#map1 = affine_map<(d0, d1) -> (0)>
#map2 = affine_map<(d0, d1) -> (0, 0, 0)>
module attributes {stable_mosaic.version = 14 : i64} {
  func.func @agg_kernel(%arg0: i32, %arg1: i32, %arg2: memref<10000x128xf32, #tpu.memory_space<hbm>>, %arg3: memref<640000xi32, #tpu.memory_space<hbm>>, %arg4: memref<624x128xf32, #tpu.memory_space<hbm>>, %arg5: memref<2x10000x128xf32, #tpu.memory_space<hbm>>, %arg6: memref<80xi32, #tpu.memory_space<vmem>>, %arg7: memref<80xi32, #tpu.memory_space<vmem>>, %arg8: memref<80xi32, #tpu.memory_space<vmem>>, %arg9: memref<80xi32, #tpu.memory_space<vmem>>, %arg10: memref<80xi32, #tpu.memory_space<vmem>>, %arg11: memref<80xi32, #tpu.memory_space<vmem>>, %arg12: memref<80xi32, #tpu.memory_space<vmem>>, %arg13: memref<80xi32, #tpu.memory_space<vmem>>, %arg14: memref<80xi32, #tpu.memory_space<vmem>>, %arg15: memref<80xi32, #tpu.memory_space<vmem>>, %arg16: memref<80xi32, #tpu.memory_space<vmem>>, %arg17: memref<80xi32, #tpu.memory_space<vmem>>, %arg18: memref<80x128xf32, #tpu.memory_space<vmem>>, %arg19: memref<80x128xf32, #tpu.memory_space<vmem>>, %arg20: memref<80x128xf32, #tpu.memory_space<vmem>>, %arg21: memref<10000x128xf32, #tpu.memory_space<vmem_shared>>, %arg22: memref<!tpu.dma_semaphore, #tpu.memory_space<semaphore_mem>>, %arg23: memref<!tpu.dma_semaphore, #tpu.memory_space<semaphore_mem>>, %arg24: memref<!tpu.dma_semaphore, #tpu.memory_space<semaphore_mem>>, %arg25: memref<!tpu.dma_semaphore, #tpu.memory_space<semaphore_mem>>, %arg26: memref<!tpu.dma_semaphore, #tpu.memory_space<semaphore_mem>>, %arg27: memref<!tpu.dma_semaphore, #tpu.memory_space<semaphore_mem>>, %arg28: memref<!tpu.dma_semaphore, #tpu.memory_space<semaphore_mem>>, %arg29: memref<!tpu.dma_semaphore, #tpu.memory_space<semaphore_mem>>, %arg30: memref<!tpu.dma_semaphore, #tpu.memory_space<semaphore_mem>>, %arg31: memref<!tpu.dma_semaphore, #tpu.memory_space<semaphore_mem>>, %arg32: memref<!tpu.dma_semaphore, #tpu.memory_space<semaphore_mem>>, %arg33: memref<!tpu.dma_semaphore, #tpu.memory_space<semaphore_mem>>) attributes {dimension_semantics = [#tpu.dimension_semantics<core_parallel>, #tpu.dimension_semantics<subcore_parallel>], iteration_bounds = array<i64: 2, 16>, scalar_prefetch = 0 : i64, scratch_operands = 28 : i64, tpu.core_type = #tpu.core_type<sc_vector_subcore>, window_params = [{transform_indices = #map}, {transform_indices = #map1}, {transform_indices = #map}, {transform_indices = #map2}]} {
    %mul3A = arith.constant 2 : i32
    %mul3A_0 = arith.muli %arg1, %mul3A : i32
    %add3A = arith.addi %mul3A_0, %arg0 : i32
    %mul3A_1 = arith.constant 10000 : i32
    %mul3A_2 = arith.muli %add3A, %mul3A_1 : i32
    %add3A_3 = arith.constant 0 : i32
    %add3A_4 = arith.addi %mul3A_2, %add3A_3 : i32
    %multiple_of3A = tpu.assume_multiple %add3A_4, 8 : i32
    %add3A_5 = arith.constant 320000 : i32
    %add3A_6 = arith.addi %add3A_5, %mul3A_2 : i32
    %add3A_7 = arith.constant 0 : i32
    %add3A_8 = arith.addi %add3A_6, %add3A_7 : i32
    %multiple_of3A_9 = tpu.assume_multiple %add3A_8, 8 : i32
    %dma_start3A = tpu.memref_slice %arg3[%multiple_of3A] : memref<640000xi32, #tpu.memory_space<hbm>> -> memref<80xi32, #tpu.memory_space<hbm>>
    %dma_start3A_10 = tpu.memref_slice %arg3[%multiple_of3A] : memref<640000xi32, #tpu.memory_space<hbm>> -> memref<80xi32, #tpu.memory_space<hbm>>
    tpu.enqueue_dma source(%dma_start3A_10 : memref<80xi32, #tpu.memory_space<hbm>>) target(%arg6 : memref<80xi32, #tpu.memory_space<vmem>>) target_semaphore(%arg22 : memref<!tpu.dma_semaphore, #tpu.memory_space<semaphore_mem>>)
    %dma_start3A_11 = tpu.memref_slice %arg3[%multiple_of3A_9] : memref<640000xi32, #tpu.memory_space<hbm>> -> memref<80xi32, #tpu.memory_space<hbm>>
    %dma_start3A_12 = tpu.memref_slice %arg3[%multiple_of3A_9] : memref<640000xi32, #tpu.memory_space<hbm>> -> memref<80xi32, #tpu.memory_space<hbm>>
    tpu.enqueue_dma source(%dma_start3A_12 : memref<80xi32, #tpu.memory_space<hbm>>) target(%arg12 : memref<80xi32, #tpu.memory_space<vmem>>) target_semaphore(%arg22 : memref<!tpu.dma_semaphore, #tpu.memory_space<semaphore_mem>>)
    %add3A_13 = arith.constant 80 : i32
    %add3A_14 = arith.addi %mul3A_2, %add3A_13 : i32
    %multiple_of3A_15 = tpu.assume_multiple %add3A_14, 8 : i32
    %add3A_16 = arith.constant 320000 : i32
    %add3A_17 = arith.addi %add3A_16, %mul3A_2 : i32
    %add3A_18 = arith.constant 80 : i32
    %add3A_19 = arith.addi %add3A_17, %add3A_18 : i32
    %multiple_of3A_20 = tpu.assume_multiple %add3A_19, 8 : i32
    %dma_start3A_21 = tpu.memref_slice %arg3[%multiple_of3A_15] : memref<640000xi32, #tpu.memory_space<hbm>> -> memref<80xi32, #tpu.memory_space<hbm>>
    %dma_start3A_22 = tpu.memref_slice %arg3[%multiple_of3A_15] : memref<640000xi32, #tpu.memory_space<hbm>> -> memref<80xi32, #tpu.memory_space<hbm>>
    tpu.enqueue_dma source(%dma_start3A_22 : memref<80xi32, #tpu.memory_space<hbm>>) target(%arg7 : memref<80xi32, #tpu.memory_space<vmem>>) target_semaphore(%arg23 : memref<!tpu.dma_semaphore, #tpu.memory_space<semaphore_mem>>)
    %dma_start3A_23 = tpu.memref_slice %arg3[%multiple_of3A_20] : memref<640000xi32, #tpu.memory_space<hbm>> -> memref<80xi32, #tpu.memory_space<hbm>>
    %dma_start3A_24 = tpu.memref_slice %arg3[%multiple_of3A_20] : memref<640000xi32, #tpu.memory_space<hbm>> -> memref<80xi32, #tpu.memory_space<hbm>>
    tpu.enqueue_dma source(%dma_start3A_24 : memref<80xi32, #tpu.memory_space<hbm>>) target(%arg13 : memref<80xi32, #tpu.memory_space<vmem>>) target_semaphore(%arg23 : memref<!tpu.dma_semaphore, #tpu.memory_space<semaphore_mem>>)
    %add3A_25 = arith.constant 160 : i32
    %add3A_26 = arith.addi %mul3A_2, %add3A_25 : i32
    %multiple_of3A_27 = tpu.assume_multiple %add3A_26, 8 : i32
    %add3A_28 = arith.constant 320000 : i32
    %add3A_29 = arith.addi %add3A_28, %mul3A_2 : i32
    %add3A_30 = arith.constant 160 : i32
    %add3A_31 = arith.addi %add3A_29, %add3A_30 : i32
    %multiple_of3A_32 = tpu.assume_multiple %add3A_31, 8 : i32
    %dma_start3A_33 = tpu.memref_slice %arg3[%multiple_of3A_27] : memref<640000xi32, #tpu.memory_space<hbm>> -> memref<80xi32, #tpu.memory_space<hbm>>
    %dma_start3A_34 = tpu.memref_slice %arg3[%multiple_of3A_27] : memref<640000xi32, #tpu.memory_space<hbm>> -> memref<80xi32, #tpu.memory_space<hbm>>
    tpu.enqueue_dma source(%dma_start3A_34 : memref<80xi32, #tpu.memory_space<hbm>>) target(%arg8 : memref<80xi32, #tpu.memory_space<vmem>>) target_semaphore(%arg24 : memref<!tpu.dma_semaphore, #tpu.memory_space<semaphore_mem>>)
    %dma_start3A_35 = tpu.memref_slice %arg3[%multiple_of3A_32] : memref<640000xi32, #tpu.memory_space<hbm>> -> memref<80xi32, #tpu.memory_space<hbm>>
    %dma_start3A_36 = tpu.memref_slice %arg3[%multiple_of3A_32] : memref<640000xi32, #tpu.memory_space<hbm>> -> memref<80xi32, #tpu.memory_space<hbm>>
    tpu.enqueue_dma source(%dma_start3A_36 : memref<80xi32, #tpu.memory_space<hbm>>) target(%arg14 : memref<80xi32, #tpu.memory_space<vmem>>) target_semaphore(%arg24 : memref<!tpu.dma_semaphore, #tpu.memory_space<semaphore_mem>>)
    %add3A_37 = arith.constant 240 : i32
    %add3A_38 = arith.addi %mul3A_2, %add3A_37 : i32
    %multiple_of3A_39 = tpu.assume_multiple %add3A_38, 8 : i32
    %add3A_40 = arith.constant 320000 : i32
    %add3A_41 = arith.addi %add3A_40, %mul3A_2 : i32
    %add3A_42 = arith.constant 240 : i32
    %add3A_43 = arith.addi %add3A_41, %add3A_42 : i32
    %multiple_of3A_44 = tpu.assume_multiple %add3A_43, 8 : i32
    %dma_start3A_45 = tpu.memref_slice %arg3[%multiple_of3A_39] : memref<640000xi32, #tpu.memory_space<hbm>> -> memref<80xi32, #tpu.memory_space<hbm>>
    %dma_start3A_46 = tpu.memref_slice %arg3[%multiple_of3A_39] : memref<640000xi32, #tpu.memory_space<hbm>> -> memref<80xi32, #tpu.memory_space<hbm>>
    tpu.enqueue_dma source(%dma_start3A_46 : memref<80xi32, #tpu.memory_space<hbm>>) target(%arg9 : memref<80xi32, #tpu.memory_space<vmem>>) target_semaphore(%arg25 : memref<!tpu.dma_semaphore, #tpu.memory_space<semaphore_mem>>)
    %dma_start3A_47 = tpu.memref_slice %arg3[%multiple_of3A_44] : memref<640000xi32, #tpu.memory_space<hbm>> -> memref<80xi32, #tpu.memory_space<hbm>>
    %dma_start3A_48 = tpu.memref_slice %arg3[%multiple_of3A_44] : memref<640000xi32, #tpu.memory_space<hbm>> -> memref<80xi32, #tpu.memory_space<hbm>>
    tpu.enqueue_dma source(%dma_start3A_48 : memref<80xi32, #tpu.memory_space<hbm>>) target(%arg15 : memref<80xi32, #tpu.memory_space<vmem>>) target_semaphore(%arg25 : memref<!tpu.dma_semaphore, #tpu.memory_space<semaphore_mem>>)
    %add3A_49 = arith.constant 0 : i32
    %add3A_50 = arith.addi %mul3A_2, %add3A_49 : i32
    %multiple_of3A_51 = tpu.assume_multiple %add3A_50, 8 : i32
    %add3A_52 = arith.constant 320000 : i32
    %add3A_53 = arith.addi %add3A_52, %mul3A_2 : i32
    %add3A_54 = arith.constant 0 : i32
    %add3A_55 = arith.addi %add3A_53, %add3A_54 : i32
    %multiple_of3A_56 = tpu.assume_multiple %add3A_55, 8 : i32
    %dma_wait3A = tpu.memref_slice %arg3[%multiple_of3A_51] : memref<640000xi32, #tpu.memory_space<hbm>> -> memref<80xi32, #tpu.memory_space<hbm>>
    %dma_wait3A_57 = tpu.memref_slice %arg3[%multiple_of3A_51] : memref<640000xi32, #tpu.memory_space<hbm>> -> memref<80xi32, #tpu.memory_space<hbm>>
    tpu.wait_dma2 semaphore(%arg22 : memref<!tpu.dma_semaphore, #tpu.memory_space<semaphore_mem>>) src(%dma_wait3A_57 : memref<80xi32, #tpu.memory_space<hbm>>) dst(%arg6 : memref<80xi32, #tpu.memory_space<vmem>>)
    %dma_wait3A_58 = tpu.memref_slice %arg3[%multiple_of3A_56] : memref<640000xi32, #tpu.memory_space<hbm>> -> memref<80xi32, #tpu.memory_space<hbm>>
    %dma_wait3A_59 = tpu.memref_slice %arg3[%multiple_of3A_56] : memref<640000xi32, #tpu.memory_space<hbm>> -> memref<80xi32, #tpu.memory_space<hbm>>
    tpu.wait_dma2 semaphore(%arg22 : memref<!tpu.dma_semaphore, #tpu.memory_space<semaphore_mem>>) src(%dma_wait3A_59 : memref<80xi32, #tpu.memory_space<hbm>>) dst(%arg12 : memref<80xi32, #tpu.memory_space<vmem>>)
    %dma_start3A_60 = arith.constant 0 : i32
    %dma_start3A_61 = arith.constant 0 : i32
    %dma_start3A_62 = tpu.memref_slice %arg2[%dma_start3A_60, %dma_start3A_61] : memref<10000x128xf32, #tpu.memory_space<hbm>> -> memref<10000x128xf32, #tpu.memory_space<hbm>>
    tpu.enqueue_indirect_dma source(%dma_start3A_62 : memref<10000x128xf32, #tpu.memory_space<hbm>>) target(%arg18 : memref<80x128xf32, #tpu.memory_space<vmem>>) offsets(%arg6 : memref<80xi32, #tpu.memory_space<vmem>>) semaphore(%arg28 : memref<!tpu.dma_semaphore, #tpu.memory_space<semaphore_mem>>)
    %add3A_63 = arith.constant 80 : i32
    %add3A_64 = arith.addi %mul3A_2, %add3A_63 : i32
    %multiple_of3A_65 = tpu.assume_multiple %add3A_64, 8 : i32
    %add3A_66 = arith.constant 320000 : i32
    %add3A_67 = arith.addi %add3A_66, %mul3A_2 : i32
    %add3A_68 = arith.constant 80 : i32
    %add3A_69 = arith.addi %add3A_67, %add3A_68 : i32
    %multiple_of3A_70 = tpu.assume_multiple %add3A_69, 8 : i32
    %dma_wait3A_71 = tpu.memref_slice %arg3[%multiple_of3A_65] : memref<640000xi32, #tpu.memory_space<hbm>> -> memref<80xi32, #tpu.memory_space<hbm>>
    %dma_wait3A_72 = tpu.memref_slice %arg3[%multiple_of3A_65] : memref<640000xi32, #tpu.memory_space<hbm>> -> memref<80xi32, #tpu.memory_space<hbm>>
    tpu.wait_dma2 semaphore(%arg23 : memref<!tpu.dma_semaphore, #tpu.memory_space<semaphore_mem>>) src(%dma_wait3A_72 : memref<80xi32, #tpu.memory_space<hbm>>) dst(%arg7 : memref<80xi32, #tpu.memory_space<vmem>>)
    %dma_wait3A_73 = tpu.memref_slice %arg3[%multiple_of3A_70] : memref<640000xi32, #tpu.memory_space<hbm>> -> memref<80xi32, #tpu.memory_space<hbm>>
    %dma_wait3A_74 = tpu.memref_slice %arg3[%multiple_of3A_70] : memref<640000xi32, #tpu.memory_space<hbm>> -> memref<80xi32, #tpu.memory_space<hbm>>
    tpu.wait_dma2 semaphore(%arg23 : memref<!tpu.dma_semaphore, #tpu.memory_space<semaphore_mem>>) src(%dma_wait3A_74 : memref<80xi32, #tpu.memory_space<hbm>>) dst(%arg13 : memref<80xi32, #tpu.memory_space<vmem>>)
    %dma_start3A_75 = arith.constant 0 : i32
    %dma_start3A_76 = arith.constant 0 : i32
    %dma_start3A_77 = tpu.memref_slice %arg2[%dma_start3A_75, %dma_start3A_76] : memref<10000x128xf32, #tpu.memory_space<hbm>> -> memref<10000x128xf32, #tpu.memory_space<hbm>>
    tpu.enqueue_indirect_dma source(%dma_start3A_77 : memref<10000x128xf32, #tpu.memory_space<hbm>>) target(%arg19 : memref<80x128xf32, #tpu.memory_space<vmem>>) offsets(%arg7 : memref<80xi32, #tpu.memory_space<vmem>>) semaphore(%arg29 : memref<!tpu.dma_semaphore, #tpu.memory_space<semaphore_mem>>)
    %mul3A_78 = arith.constant 624 : i32
    %mul3A_79 = arith.muli %arg1, %mul3A_78 : i32
    %multiple_of3A_80 = tpu.assume_multiple %mul3A_79, 8 : i32
    "tpu.region"() ({
      %run_scoped3A = tpu.sem_alloc : memref<!tpu.dma_semaphore, #tpu.memory_space<semaphore_mem>>
      %dma_start3A_412 = arith.constant 0 : i32
      %dma_start3A_413 = tpu.memref_slice %arg21[%multiple_of3A_80, %dma_start3A_412] : memref<10000x128xf32, #tpu.memory_space<vmem_shared>> -> memref<624x128xf32, #tpu.memory_space<vmem_shared>>
      tpu.enqueue_dma source(%arg4 : memref<624x128xf32, #tpu.memory_space<hbm>>) target(%dma_start3A_413 : memref<624x128xf32, #tpu.memory_space<vmem_shared>>) target_semaphore(%run_scoped3A : memref<!tpu.dma_semaphore, #tpu.memory_space<semaphore_mem>>)
      %dma_wait3A_414 = arith.constant 0 : i32
      %dma_wait3A_415 = tpu.memref_slice %arg21[%multiple_of3A_80, %dma_wait3A_414] : memref<10000x128xf32, #tpu.memory_space<vmem_shared>> -> memref<624x128xf32, #tpu.memory_space<vmem_shared>>
      tpu.wait_dma2 semaphore(%run_scoped3A : memref<!tpu.dma_semaphore, #tpu.memory_space<semaphore_mem>>) src(%arg4 : memref<624x128xf32, #tpu.memory_space<hbm>>) dst(%dma_wait3A_415 : memref<624x128xf32, #tpu.memory_space<vmem_shared>>)
      tpu.yield
    }) : () -> ()
    %eq3A = arith.constant 15 : i32
    %eq3A_81 = arith.cmpi eq, %arg1, %eq3A : i32
    %convert_element_type3A = arith.extui %eq3A_81 : i1 to i32
    %cond3A = arith.constant 0 : i32
    %cond3A_82 = arith.cmpi ne, %convert_element_type3A, %cond3A : i32
    scf.if %cond3A_82 {
      "tpu.region"() ({
        %run_scoped3A = tpu.sem_alloc : memref<!tpu.dma_semaphore, #tpu.memory_space<semaphore_mem>>
        %dma_start3A_412 = arith.constant 9984 : i32
        %dma_start3A_413 = arith.constant 0 : i32
        %dma_start3A_414 = tpu.memref_slice %arg21[%dma_start3A_412, %dma_start3A_413] : memref<10000x128xf32, #tpu.memory_space<vmem_shared>> -> memref<16x128xf32, #tpu.memory_space<vmem_shared>>
        %dma_start3A_415 = arith.constant 0 : i32
        %dma_start3A_416 = arith.constant 0 : i32
        %dma_start3A_417 = tpu.memref_slice %arg4[%dma_start3A_415, %dma_start3A_416] : memref<624x128xf32, #tpu.memory_space<hbm>> -> memref<16x128xf32, #tpu.memory_space<hbm>>
        tpu.enqueue_dma source(%dma_start3A_417 : memref<16x128xf32, #tpu.memory_space<hbm>>) target(%dma_start3A_414 : memref<16x128xf32, #tpu.memory_space<vmem_shared>>) target_semaphore(%run_scoped3A : memref<!tpu.dma_semaphore, #tpu.memory_space<semaphore_mem>>)
        %dma_wait3A_418 = arith.constant 9984 : i32
        %dma_wait3A_419 = arith.constant 0 : i32
        %dma_wait3A_420 = tpu.memref_slice %arg21[%dma_wait3A_418, %dma_wait3A_419] : memref<10000x128xf32, #tpu.memory_space<vmem_shared>> -> memref<16x128xf32, #tpu.memory_space<vmem_shared>>
        %dma_wait3A_421 = arith.constant 0 : i32
        %dma_wait3A_422 = arith.constant 0 : i32
        %dma_wait3A_423 = tpu.memref_slice %arg4[%dma_wait3A_421, %dma_wait3A_422] : memref<624x128xf32, #tpu.memory_space<hbm>> -> memref<16x128xf32, #tpu.memory_space<hbm>>
        tpu.wait_dma2 semaphore(%run_scoped3A : memref<!tpu.dma_semaphore, #tpu.memory_space<semaphore_mem>>) src(%dma_wait3A_423 : memref<16x128xf32, #tpu.memory_space<hbm>>) dst(%dma_wait3A_420 : memref<16x128xf32, #tpu.memory_space<vmem_shared>>)
        tpu.yield
      }) : () -> ()
    } else {
    }
    %barrier3A = arith.constant 0 : index
    tpu.barrier barrier_id(%barrier3A)
    %add3A_83 = arith.constant 160 : i32
    %add3A_84 = arith.addi %mul3A_2, %add3A_83 : i32
    %multiple_of3A_85 = tpu.assume_multiple %add3A_84, 8 : i32
    %add3A_86 = arith.constant 320000 : i32
    %add3A_87 = arith.addi %add3A_86, %mul3A_2 : i32
    %add3A_88 = arith.constant 160 : i32
    %add3A_89 = arith.addi %add3A_87, %add3A_88 : i32
    %multiple_of3A_90 = tpu.assume_multiple %add3A_89, 8 : i32
    %dma_wait3A_91 = tpu.memref_slice %arg3[%multiple_of3A_85] : memref<640000xi32, #tpu.memory_space<hbm>> -> memref<80xi32, #tpu.memory_space<hbm>>
    %dma_wait3A_92 = tpu.memref_slice %arg3[%multiple_of3A_85] : memref<640000xi32, #tpu.memory_space<hbm>> -> memref<80xi32, #tpu.memory_space<hbm>>
    tpu.wait_dma2 semaphore(%arg24 : memref<!tpu.dma_semaphore, #tpu.memory_space<semaphore_mem>>) src(%dma_wait3A_92 : memref<80xi32, #tpu.memory_space<hbm>>) dst(%arg8 : memref<80xi32, #tpu.memory_space<vmem>>)
    %dma_wait3A_93 = tpu.memref_slice %arg3[%multiple_of3A_90] : memref<640000xi32, #tpu.memory_space<hbm>> -> memref<80xi32, #tpu.memory_space<hbm>>
    %dma_wait3A_94 = tpu.memref_slice %arg3[%multiple_of3A_90] : memref<640000xi32, #tpu.memory_space<hbm>> -> memref<80xi32, #tpu.memory_space<hbm>>
    tpu.wait_dma2 semaphore(%arg24 : memref<!tpu.dma_semaphore, #tpu.memory_space<semaphore_mem>>) src(%dma_wait3A_94 : memref<80xi32, #tpu.memory_space<hbm>>) dst(%arg14 : memref<80xi32, #tpu.memory_space<vmem>>)
    %dma_start3A_95 = arith.constant 0 : i32
    %dma_start3A_96 = arith.constant 0 : i32
    %dma_start3A_97 = tpu.memref_slice %arg2[%dma_start3A_95, %dma_start3A_96] : memref<10000x128xf32, #tpu.memory_space<hbm>> -> memref<10000x128xf32, #tpu.memory_space<hbm>>
    tpu.enqueue_indirect_dma source(%dma_start3A_97 : memref<10000x128xf32, #tpu.memory_space<hbm>>) target(%arg20 : memref<80x128xf32, #tpu.memory_space<vmem>>) offsets(%arg8 : memref<80xi32, #tpu.memory_space<vmem>>) semaphore(%arg30 : memref<!tpu.dma_semaphore, #tpu.memory_space<semaphore_mem>>)
    %add3A_98 = arith.constant 320 : i32
    %add3A_99 = arith.addi %mul3A_2, %add3A_98 : i32
    %multiple_of3A_100 = tpu.assume_multiple %add3A_99, 8 : i32
    %add3A_101 = arith.constant 320000 : i32
    %add3A_102 = arith.addi %add3A_101, %mul3A_2 : i32
    %add3A_103 = arith.constant 320 : i32
    %add3A_104 = arith.addi %add3A_102, %add3A_103 : i32
    %multiple_of3A_105 = tpu.assume_multiple %add3A_104, 8 : i32
    %dma_start3A_106 = tpu.memref_slice %arg3[%multiple_of3A_100] : memref<640000xi32, #tpu.memory_space<hbm>> -> memref<80xi32, #tpu.memory_space<hbm>>
    %dma_start3A_107 = tpu.memref_slice %arg3[%multiple_of3A_100] : memref<640000xi32, #tpu.memory_space<hbm>> -> memref<80xi32, #tpu.memory_space<hbm>>
    tpu.enqueue_dma source(%dma_start3A_107 : memref<80xi32, #tpu.memory_space<hbm>>) target(%arg10 : memref<80xi32, #tpu.memory_space<vmem>>) target_semaphore(%arg26 : memref<!tpu.dma_semaphore, #tpu.memory_space<semaphore_mem>>)
    %dma_start3A_108 = tpu.memref_slice %arg3[%multiple_of3A_105] : memref<640000xi32, #tpu.memory_space<hbm>> -> memref<80xi32, #tpu.memory_space<hbm>>
    %dma_start3A_109 = tpu.memref_slice %arg3[%multiple_of3A_105] : memref<640000xi32, #tpu.memory_space<hbm>> -> memref<80xi32, #tpu.memory_space<hbm>>
    tpu.enqueue_dma source(%dma_start3A_109 : memref<80xi32, #tpu.memory_space<hbm>>) target(%arg16 : memref<80xi32, #tpu.memory_space<vmem>>) target_semaphore(%arg26 : memref<!tpu.dma_semaphore, #tpu.memory_space<semaphore_mem>>)
    %dma_wait3A_110 = arith.constant 0 : i32
    %dma_wait3A_111 = arith.constant 0 : i32
    %dma_wait3A_112 = tpu.memref_slice %arg2[%dma_wait3A_110, %dma_wait3A_111] : memref<10000x128xf32, #tpu.memory_space<hbm>> -> memref<10000x128xf32, #tpu.memory_space<hbm>>
    tpu.wait_indirect_dma semaphore(%arg28 : memref<!tpu.dma_semaphore, #tpu.memory_space<semaphore_mem>>) src(%dma_wait3A_112 : memref<10000x128xf32, #tpu.memory_space<hbm>>) dst(%arg18 : memref<80x128xf32, #tpu.memory_space<vmem>>)
    %dma_start3A_113 = arith.constant 0 : i32
    %dma_start3A_114 = arith.constant 0 : i32
    %dma_start3A_115 = tpu.memref_slice %arg21[%dma_start3A_113, %dma_start3A_114] : memref<10000x128xf32, #tpu.memory_space<vmem_shared>> -> memref<10000x128xf32, #tpu.memory_space<vmem_shared>>
    tpu.enqueue_indirect_dma source(%arg18 : memref<80x128xf32, #tpu.memory_space<vmem>>) target(%dma_start3A_115 : memref<10000x128xf32, #tpu.memory_space<vmem_shared>>) offsets(%arg12 : memref<80xi32, #tpu.memory_space<vmem>>) semaphore(%arg31 : memref<!tpu.dma_semaphore, #tpu.memory_space<semaphore_mem>>) {add = true}
    %dma_wait3A_116 = arith.constant 0 : i32
    %dma_wait3A_117 = arith.constant 0 : i32
    %dma_wait3A_118 = tpu.memref_slice %arg21[%dma_wait3A_116, %dma_wait3A_117] : memref<10000x128xf32, #tpu.memory_space<vmem_shared>> -> memref<10000x128xf32, #tpu.memory_space<vmem_shared>>
    tpu.wait_indirect_dma semaphore(%arg31 : memref<!tpu.dma_semaphore, #tpu.memory_space<semaphore_mem>>) src(%arg18 : memref<80x128xf32, #tpu.memory_space<vmem>>) dst(%dma_wait3A_118 : memref<10000x128xf32, #tpu.memory_space<vmem_shared>>)
    %add3A_119 = arith.constant 240 : i32
    %add3A_120 = arith.addi %mul3A_2, %add3A_119 : i32
    %multiple_of3A_121 = tpu.assume_multiple %add3A_120, 8 : i32
    %add3A_122 = arith.constant 320000 : i32
    %add3A_123 = arith.addi %add3A_122, %mul3A_2 : i32
    %add3A_124 = arith.constant 240 : i32
    %add3A_125 = arith.addi %add3A_123, %add3A_124 : i32
    %multiple_of3A_126 = tpu.assume_multiple %add3A_125, 8 : i32
    %dma_wait3A_127 = tpu.memref_slice %arg3[%multiple_of3A_121] : memref<640000xi32, #tpu.memory_space<hbm>> -> memref<80xi32, #tpu.memory_space<hbm>>
    %dma_wait3A_128 = tpu.memref_slice %arg3[%multiple_of3A_121] : memref<640000xi32, #tpu.memory_space<hbm>> -> memref<80xi32, #tpu.memory_space<hbm>>
    tpu.wait_dma2 semaphore(%arg25 : memref<!tpu.dma_semaphore, #tpu.memory_space<semaphore_mem>>) src(%dma_wait3A_128 : memref<80xi32, #tpu.memory_space<hbm>>) dst(%arg9 : memref<80xi32, #tpu.memory_space<vmem>>)
    %dma_wait3A_129 = tpu.memref_slice %arg3[%multiple_of3A_126] : memref<640000xi32, #tpu.memory_space<hbm>> -> memref<80xi32, #tpu.memory_space<hbm>>
    %dma_wait3A_130 = tpu.memref_slice %arg3[%multiple_of3A_126] : memref<640000xi32, #tpu.memory_space<hbm>> -> memref<80xi32, #tpu.memory_space<hbm>>
    tpu.wait_dma2 semaphore(%arg25 : memref<!tpu.dma_semaphore, #tpu.memory_space<semaphore_mem>>) src(%dma_wait3A_130 : memref<80xi32, #tpu.memory_space<hbm>>) dst(%arg15 : memref<80xi32, #tpu.memory_space<vmem>>)
    %dma_start3A_131 = arith.constant 0 : i32
    %dma_start3A_132 = arith.constant 0 : i32
    %dma_start3A_133 = tpu.memref_slice %arg2[%dma_start3A_131, %dma_start3A_132] : memref<10000x128xf32, #tpu.memory_space<hbm>> -> memref<10000x128xf32, #tpu.memory_space<hbm>>
    tpu.enqueue_indirect_dma source(%dma_start3A_133 : memref<10000x128xf32, #tpu.memory_space<hbm>>) target(%arg18 : memref<80x128xf32, #tpu.memory_space<vmem>>) offsets(%arg9 : memref<80xi32, #tpu.memory_space<vmem>>) semaphore(%arg28 : memref<!tpu.dma_semaphore, #tpu.memory_space<semaphore_mem>>)
    %add3A_134 = arith.constant 400 : i32
    %add3A_135 = arith.addi %mul3A_2, %add3A_134 : i32
    %multiple_of3A_136 = tpu.assume_multiple %add3A_135, 8 : i32
    %add3A_137 = arith.constant 320000 : i32
    %add3A_138 = arith.addi %add3A_137, %mul3A_2 : i32
    %add3A_139 = arith.constant 400 : i32
    %add3A_140 = arith.addi %add3A_138, %add3A_139 : i32
    %multiple_of3A_141 = tpu.assume_multiple %add3A_140, 8 : i32
    %dma_start3A_142 = tpu.memref_slice %arg3[%multiple_of3A_136] : memref<640000xi32, #tpu.memory_space<hbm>> -> memref<80xi32, #tpu.memory_space<hbm>>
    %dma_start3A_143 = tpu.memref_slice %arg3[%multiple_of3A_136] : memref<640000xi32, #tpu.memory_space<hbm>> -> memref<80xi32, #tpu.memory_space<hbm>>
    tpu.enqueue_dma source(%dma_start3A_143 : memref<80xi32, #tpu.memory_space<hbm>>) target(%arg11 : memref<80xi32, #tpu.memory_space<vmem>>) target_semaphore(%arg27 : memref<!tpu.dma_semaphore, #tpu.memory_space<semaphore_mem>>)
    %dma_start3A_144 = tpu.memref_slice %arg3[%multiple_of3A_141] : memref<640000xi32, #tpu.memory_space<hbm>> -> memref<80xi32, #tpu.memory_space<hbm>>
    %dma_start3A_145 = tpu.memref_slice %arg3[%multiple_of3A_141] : memref<640000xi32, #tpu.memory_space<hbm>> -> memref<80xi32, #tpu.memory_space<hbm>>
    tpu.enqueue_dma source(%dma_start3A_145 : memref<80xi32, #tpu.memory_space<hbm>>) target(%arg17 : memref<80xi32, #tpu.memory_space<vmem>>) target_semaphore(%arg27 : memref<!tpu.dma_semaphore, #tpu.memory_space<semaphore_mem>>)
    %dma_wait3A_146 = arith.constant 0 : i32
    %dma_wait3A_147 = arith.constant 0 : i32
    %dma_wait3A_148 = tpu.memref_slice %arg2[%dma_wait3A_146, %dma_wait3A_147] : memref<10000x128xf32, #tpu.memory_space<hbm>> -> memref<10000x128xf32, #tpu.memory_space<hbm>>
    tpu.wait_indirect_dma semaphore(%arg29 : memref<!tpu.dma_semaphore, #tpu.memory_space<semaphore_mem>>) src(%dma_wait3A_148 : memref<10000x128xf32, #tpu.memory_space<hbm>>) dst(%arg19 : memref<80x128xf32, #tpu.memory_space<vmem>>)
    %dma_start3A_149 = arith.constant 0 : i32
    %dma_start3A_150 = arith.constant 0 : i32
    %dma_start3A_151 = tpu.memref_slice %arg21[%dma_start3A_149, %dma_start3A_150] : memref<10000x128xf32, #tpu.memory_space<vmem_shared>> -> memref<10000x128xf32, #tpu.memory_space<vmem_shared>>
    tpu.enqueue_indirect_dma source(%arg19 : memref<80x128xf32, #tpu.memory_space<vmem>>) target(%dma_start3A_151 : memref<10000x128xf32, #tpu.memory_space<vmem_shared>>) offsets(%arg13 : memref<80xi32, #tpu.memory_space<vmem>>) semaphore(%arg32 : memref<!tpu.dma_semaphore, #tpu.memory_space<semaphore_mem>>) {add = true}
    %dma_wait3A_152 = arith.constant 0 : i32
    %dma_wait3A_153 = arith.constant 0 : i32
    %dma_wait3A_154 = tpu.memref_slice %arg21[%dma_wait3A_152, %dma_wait3A_153] : memref<10000x128xf32, #tpu.memory_space<vmem_shared>> -> memref<10000x128xf32, #tpu.memory_space<vmem_shared>>
    tpu.wait_indirect_dma semaphore(%arg32 : memref<!tpu.dma_semaphore, #tpu.memory_space<semaphore_mem>>) src(%arg19 : memref<80x128xf32, #tpu.memory_space<vmem>>) dst(%dma_wait3A_154 : memref<10000x128xf32, #tpu.memory_space<vmem_shared>>)
    %add3A_155 = arith.constant 320 : i32
    %add3A_156 = arith.addi %mul3A_2, %add3A_155 : i32
    %multiple_of3A_157 = tpu.assume_multiple %add3A_156, 8 : i32
    %add3A_158 = arith.constant 320000 : i32
    %add3A_159 = arith.addi %add3A_158, %mul3A_2 : i32
    %add3A_160 = arith.constant 320 : i32
    %add3A_161 = arith.addi %add3A_159, %add3A_160 : i32
    %multiple_of3A_162 = tpu.assume_multiple %add3A_161, 8 : i32
    %dma_wait3A_163 = tpu.memref_slice %arg3[%multiple_of3A_157] : memref<640000xi32, #tpu.memory_space<hbm>> -> memref<80xi32, #tpu.memory_space<hbm>>
    %dma_wait3A_164 = tpu.memref_slice %arg3[%multiple_of3A_157] : memref<640000xi32, #tpu.memory_space<hbm>> -> memref<80xi32, #tpu.memory_space<hbm>>
    tpu.wait_dma2 semaphore(%arg26 : memref<!tpu.dma_semaphore, #tpu.memory_space<semaphore_mem>>) src(%dma_wait3A_164 : memref<80xi32, #tpu.memory_space<hbm>>) dst(%arg10 : memref<80xi32, #tpu.memory_space<vmem>>)
    %dma_wait3A_165 = tpu.memref_slice %arg3[%multiple_of3A_162] : memref<640000xi32, #tpu.memory_space<hbm>> -> memref<80xi32, #tpu.memory_space<hbm>>
    %dma_wait3A_166 = tpu.memref_slice %arg3[%multiple_of3A_162] : memref<640000xi32, #tpu.memory_space<hbm>> -> memref<80xi32, #tpu.memory_space<hbm>>
    tpu.wait_dma2 semaphore(%arg26 : memref<!tpu.dma_semaphore, #tpu.memory_space<semaphore_mem>>) src(%dma_wait3A_166 : memref<80xi32, #tpu.memory_space<hbm>>) dst(%arg16 : memref<80xi32, #tpu.memory_space<vmem>>)
    %dma_start3A_167 = arith.constant 0 : i32
    %dma_start3A_168 = arith.constant 0 : i32
    %dma_start3A_169 = tpu.memref_slice %arg2[%dma_start3A_167, %dma_start3A_168] : memref<10000x128xf32, #tpu.memory_space<hbm>> -> memref<10000x128xf32, #tpu.memory_space<hbm>>
    tpu.enqueue_indirect_dma source(%dma_start3A_169 : memref<10000x128xf32, #tpu.memory_space<hbm>>) target(%arg19 : memref<80x128xf32, #tpu.memory_space<vmem>>) offsets(%arg10 : memref<80xi32, #tpu.memory_space<vmem>>) semaphore(%arg29 : memref<!tpu.dma_semaphore, #tpu.memory_space<semaphore_mem>>)
    %add3A_170 = arith.constant 480 : i32
    %add3A_171 = arith.addi %mul3A_2, %add3A_170 : i32
    %multiple_of3A_172 = tpu.assume_multiple %add3A_171, 8 : i32
    %add3A_173 = arith.constant 320000 : i32
    %add3A_174 = arith.addi %add3A_173, %mul3A_2 : i32
    %add3A_175 = arith.constant 480 : i32
    %add3A_176 = arith.addi %add3A_174, %add3A_175 : i32
    %multiple_of3A_177 = tpu.assume_multiple %add3A_176, 8 : i32
    %dma_start3A_178 = tpu.memref_slice %arg3[%multiple_of3A_172] : memref<640000xi32, #tpu.memory_space<hbm>> -> memref<80xi32, #tpu.memory_space<hbm>>
    %dma_start3A_179 = tpu.memref_slice %arg3[%multiple_of3A_172] : memref<640000xi32, #tpu.memory_space<hbm>> -> memref<80xi32, #tpu.memory_space<hbm>>
    tpu.enqueue_dma source(%dma_start3A_179 : memref<80xi32, #tpu.memory_space<hbm>>) target(%arg6 : memref<80xi32, #tpu.memory_space<vmem>>) target_semaphore(%arg22 : memref<!tpu.dma_semaphore, #tpu.memory_space<semaphore_mem>>)
    %dma_start3A_180 = tpu.memref_slice %arg3[%multiple_of3A_177] : memref<640000xi32, #tpu.memory_space<hbm>> -> memref<80xi32, #tpu.memory_space<hbm>>
    %dma_start3A_181 = tpu.memref_slice %arg3[%multiple_of3A_177] : memref<640000xi32, #tpu.memory_space<hbm>> -> memref<80xi32, #tpu.memory_space<hbm>>
    tpu.enqueue_dma source(%dma_start3A_181 : memref<80xi32, #tpu.memory_space<hbm>>) target(%arg12 : memref<80xi32, #tpu.memory_space<vmem>>) target_semaphore(%arg22 : memref<!tpu.dma_semaphore, #tpu.memory_space<semaphore_mem>>)
    %dma_wait3A_182 = arith.constant 0 : i32
    %dma_wait3A_183 = arith.constant 0 : i32
    %dma_wait3A_184 = tpu.memref_slice %arg2[%dma_wait3A_182, %dma_wait3A_183] : memref<10000x128xf32, #tpu.memory_space<hbm>> -> memref<10000x128xf32, #tpu.memory_space<hbm>>
    tpu.wait_indirect_dma semaphore(%arg30 : memref<!tpu.dma_semaphore, #tpu.memory_space<semaphore_mem>>) src(%dma_wait3A_184 : memref<10000x128xf32, #tpu.memory_space<hbm>>) dst(%arg20 : memref<80x128xf32, #tpu.memory_space<vmem>>)
    %dma_start3A_185 = arith.constant 0 : i32
    %dma_start3A_186 = arith.constant 0 : i32
    %dma_start3A_187 = tpu.memref_slice %arg21[%dma_start3A_185, %dma_start3A_186] : memref<10000x128xf32, #tpu.memory_space<vmem_shared>> -> memref<10000x128xf32, #tpu.memory_space<vmem_shared>>
    tpu.enqueue_indirect_dma source(%arg20 : memref<80x128xf32, #tpu.memory_space<vmem>>) target(%dma_start3A_187 : memref<10000x128xf32, #tpu.memory_space<vmem_shared>>) offsets(%arg14 : memref<80xi32, #tpu.memory_space<vmem>>) semaphore(%arg33 : memref<!tpu.dma_semaphore, #tpu.memory_space<semaphore_mem>>) {add = true}
    %dma_wait3A_188 = arith.constant 0 : i32
    %dma_wait3A_189 = arith.constant 0 : i32
    %dma_wait3A_190 = tpu.memref_slice %arg21[%dma_wait3A_188, %dma_wait3A_189] : memref<10000x128xf32, #tpu.memory_space<vmem_shared>> -> memref<10000x128xf32, #tpu.memory_space<vmem_shared>>
    tpu.wait_indirect_dma semaphore(%arg33 : memref<!tpu.dma_semaphore, #tpu.memory_space<semaphore_mem>>) src(%arg20 : memref<80x128xf32, #tpu.memory_space<vmem>>) dst(%dma_wait3A_190 : memref<10000x128xf32, #tpu.memory_space<vmem_shared>>)
    %add3A_191 = arith.constant 400 : i32
    %add3A_192 = arith.addi %mul3A_2, %add3A_191 : i32
    %multiple_of3A_193 = tpu.assume_multiple %add3A_192, 8 : i32
    %add3A_194 = arith.constant 320000 : i32
    %add3A_195 = arith.addi %add3A_194, %mul3A_2 : i32
    %add3A_196 = arith.constant 400 : i32
    %add3A_197 = arith.addi %add3A_195, %add3A_196 : i32
    %multiple_of3A_198 = tpu.assume_multiple %add3A_197, 8 : i32
    %dma_wait3A_199 = tpu.memref_slice %arg3[%multiple_of3A_193] : memref<640000xi32, #tpu.memory_space<hbm>> -> memref<80xi32, #tpu.memory_space<hbm>>
    %dma_wait3A_200 = tpu.memref_slice %arg3[%multiple_of3A_193] : memref<640000xi32, #tpu.memory_space<hbm>> -> memref<80xi32, #tpu.memory_space<hbm>>
    tpu.wait_dma2 semaphore(%arg27 : memref<!tpu.dma_semaphore, #tpu.memory_space<semaphore_mem>>) src(%dma_wait3A_200 : memref<80xi32, #tpu.memory_space<hbm>>) dst(%arg11 : memref<80xi32, #tpu.memory_space<vmem>>)
    %dma_wait3A_201 = tpu.memref_slice %arg3[%multiple_of3A_198] : memref<640000xi32, #tpu.memory_space<hbm>> -> memref<80xi32, #tpu.memory_space<hbm>>
    %dma_wait3A_202 = tpu.memref_slice %arg3[%multiple_of3A_198] : memref<640000xi32, #tpu.memory_space<hbm>> -> memref<80xi32, #tpu.memory_space<hbm>>
    tpu.wait_dma2 semaphore(%arg27 : memref<!tpu.dma_semaphore, #tpu.memory_space<semaphore_mem>>) src(%dma_wait3A_202 : memref<80xi32, #tpu.memory_space<hbm>>) dst(%arg17 : memref<80xi32, #tpu.memory_space<vmem>>)
    %dma_start3A_203 = arith.constant 0 : i32
    %dma_start3A_204 = arith.constant 0 : i32
    %dma_start3A_205 = tpu.memref_slice %arg2[%dma_start3A_203, %dma_start3A_204] : memref<10000x128xf32, #tpu.memory_space<hbm>> -> memref<10000x128xf32, #tpu.memory_space<hbm>>
    tpu.enqueue_indirect_dma source(%dma_start3A_205 : memref<10000x128xf32, #tpu.memory_space<hbm>>) target(%arg20 : memref<80x128xf32, #tpu.memory_space<vmem>>) offsets(%arg11 : memref<80xi32, #tpu.memory_space<vmem>>) semaphore(%arg30 : memref<!tpu.dma_semaphore, #tpu.memory_space<semaphore_mem>>)
    %add3A_206 = arith.constant 560 : i32
    %add3A_207 = arith.addi %mul3A_2, %add3A_206 : i32
    %multiple_of3A_208 = tpu.assume_multiple %add3A_207, 8 : i32
    %add3A_209 = arith.constant 320000 : i32
    %add3A_210 = arith.addi %add3A_209, %mul3A_2 : i32
    %add3A_211 = arith.constant 560 : i32
    %add3A_212 = arith.addi %add3A_210, %add3A_211 : i32
    %multiple_of3A_213 = tpu.assume_multiple %add3A_212, 8 : i32
    %dma_start3A_214 = tpu.memref_slice %arg3[%multiple_of3A_208] : memref<640000xi32, #tpu.memory_space<hbm>> -> memref<80xi32, #tpu.memory_space<hbm>>
    %dma_start3A_215 = tpu.memref_slice %arg3[%multiple_of3A_208] : memref<640000xi32, #tpu.memory_space<hbm>> -> memref<80xi32, #tpu.memory_space<hbm>>
    tpu.enqueue_dma source(%dma_start3A_215 : memref<80xi32, #tpu.memory_space<hbm>>) target(%arg7 : memref<80xi32, #tpu.memory_space<vmem>>) target_semaphore(%arg23 : memref<!tpu.dma_semaphore, #tpu.memory_space<semaphore_mem>>)
    %dma_start3A_216 = tpu.memref_slice %arg3[%multiple_of3A_213] : memref<640000xi32, #tpu.memory_space<hbm>> -> memref<80xi32, #tpu.memory_space<hbm>>
    %dma_start3A_217 = tpu.memref_slice %arg3[%multiple_of3A_213] : memref<640000xi32, #tpu.memory_space<hbm>> -> memref<80xi32, #tpu.memory_space<hbm>>
    tpu.enqueue_dma source(%dma_start3A_217 : memref<80xi32, #tpu.memory_space<hbm>>) target(%arg13 : memref<80xi32, #tpu.memory_space<vmem>>) target_semaphore(%arg23 : memref<!tpu.dma_semaphore, #tpu.memory_space<semaphore_mem>>)
    %dma_wait3A_218 = arith.constant 0 : i32
    %dma_wait3A_219 = arith.constant 0 : i32
    %dma_wait3A_220 = tpu.memref_slice %arg2[%dma_wait3A_218, %dma_wait3A_219] : memref<10000x128xf32, #tpu.memory_space<hbm>> -> memref<10000x128xf32, #tpu.memory_space<hbm>>
    tpu.wait_indirect_dma semaphore(%arg28 : memref<!tpu.dma_semaphore, #tpu.memory_space<semaphore_mem>>) src(%dma_wait3A_220 : memref<10000x128xf32, #tpu.memory_space<hbm>>) dst(%arg18 : memref<80x128xf32, #tpu.memory_space<vmem>>)
    %dma_start3A_221 = arith.constant 0 : i32
    %dma_start3A_222 = arith.constant 0 : i32
    %dma_start3A_223 = tpu.memref_slice %arg21[%dma_start3A_221, %dma_start3A_222] : memref<10000x128xf32, #tpu.memory_space<vmem_shared>> -> memref<10000x128xf32, #tpu.memory_space<vmem_shared>>
    tpu.enqueue_indirect_dma source(%arg18 : memref<80x128xf32, #tpu.memory_space<vmem>>) target(%dma_start3A_223 : memref<10000x128xf32, #tpu.memory_space<vmem_shared>>) offsets(%arg15 : memref<80xi32, #tpu.memory_space<vmem>>) semaphore(%arg31 : memref<!tpu.dma_semaphore, #tpu.memory_space<semaphore_mem>>) {add = true}
    %dma_wait3A_224 = arith.constant 0 : i32
    %dma_wait3A_225 = arith.constant 0 : i32
    %dma_wait3A_226 = tpu.memref_slice %arg21[%dma_wait3A_224, %dma_wait3A_225] : memref<10000x128xf32, #tpu.memory_space<vmem_shared>> -> memref<10000x128xf32, #tpu.memory_space<vmem_shared>>
    tpu.wait_indirect_dma semaphore(%arg31 : memref<!tpu.dma_semaphore, #tpu.memory_space<semaphore_mem>>) src(%arg18 : memref<80x128xf32, #tpu.memory_space<vmem>>) dst(%dma_wait3A_226 : memref<10000x128xf32, #tpu.memory_space<vmem_shared>>)
    %add3A_227 = arith.constant 480 : i32
    %add3A_228 = arith.addi %mul3A_2, %add3A_227 : i32
    %multiple_of3A_229 = tpu.assume_multiple %add3A_228, 8 : i32
    %add3A_230 = arith.constant 320000 : i32
    %add3A_231 = arith.addi %add3A_230, %mul3A_2 : i32
    %add3A_232 = arith.constant 480 : i32
    %add3A_233 = arith.addi %add3A_231, %add3A_232 : i32
    %multiple_of3A_234 = tpu.assume_multiple %add3A_233, 8 : i32
    %dma_wait3A_235 = tpu.memref_slice %arg3[%multiple_of3A_229] : memref<640000xi32, #tpu.memory_space<hbm>> -> memref<80xi32, #tpu.memory_space<hbm>>
    %dma_wait3A_236 = tpu.memref_slice %arg3[%multiple_of3A_229] : memref<640000xi32, #tpu.memory_space<hbm>> -> memref<80xi32, #tpu.memory_space<hbm>>
    tpu.wait_dma2 semaphore(%arg22 : memref<!tpu.dma_semaphore, #tpu.memory_space<semaphore_mem>>) src(%dma_wait3A_236 : memref<80xi32, #tpu.memory_space<hbm>>) dst(%arg6 : memref<80xi32, #tpu.memory_space<vmem>>)
    %dma_wait3A_237 = tpu.memref_slice %arg3[%multiple_of3A_234] : memref<640000xi32, #tpu.memory_space<hbm>> -> memref<80xi32, #tpu.memory_space<hbm>>
    %dma_wait3A_238 = tpu.memref_slice %arg3[%multiple_of3A_234] : memref<640000xi32, #tpu.memory_space<hbm>> -> memref<80xi32, #tpu.memory_space<hbm>>
    tpu.wait_dma2 semaphore(%arg22 : memref<!tpu.dma_semaphore, #tpu.memory_space<semaphore_mem>>) src(%dma_wait3A_238 : memref<80xi32, #tpu.memory_space<hbm>>) dst(%arg12 : memref<80xi32, #tpu.memory_space<vmem>>)
    %dma_start3A_239 = arith.constant 0 : i32
    %dma_start3A_240 = arith.constant 0 : i32
    %dma_start3A_241 = tpu.memref_slice %arg2[%dma_start3A_239, %dma_start3A_240] : memref<10000x128xf32, #tpu.memory_space<hbm>> -> memref<10000x128xf32, #tpu.memory_space<hbm>>
    tpu.enqueue_indirect_dma source(%dma_start3A_241 : memref<10000x128xf32, #tpu.memory_space<hbm>>) target(%arg18 : memref<80x128xf32, #tpu.memory_space<vmem>>) offsets(%arg6 : memref<80xi32, #tpu.memory_space<vmem>>) semaphore(%arg28 : memref<!tpu.dma_semaphore, #tpu.memory_space<semaphore_mem>>)
    %add3A_242 = arith.constant 640 : i32
    %add3A_243 = arith.addi %mul3A_2, %add3A_242 : i32
    %multiple_of3A_244 = tpu.assume_multiple %add3A_243, 8 : i32
    %add3A_245 = arith.constant 320000 : i32
    %add3A_246 = arith.addi %add3A_245, %mul3A_2 : i32
    %add3A_247 = arith.constant 640 : i32
    %add3A_248 = arith.addi %add3A_246, %add3A_247 : i32
    %multiple_of3A_249 = tpu.assume_multiple %add3A_248, 8 : i32
    %dma_start3A_250 = tpu.memref_slice %arg3[%multiple_of3A_244] : memref<640000xi32, #tpu.memory_space<hbm>> -> memref<80xi32, #tpu.memory_space<hbm>>
    %dma_start3A_251 = tpu.memref_slice %arg3[%multiple_of3A_244] : memref<640000xi32, #tpu.memory_space<hbm>> -> memref<80xi32, #tpu.memory_space<hbm>>
    tpu.enqueue_dma source(%dma_start3A_251 : memref<80xi32, #tpu.memory_space<hbm>>) target(%arg8 : memref<80xi32, #tpu.memory_space<vmem>>) target_semaphore(%arg24 : memref<!tpu.dma_semaphore, #tpu.memory_space<semaphore_mem>>)
    %dma_start3A_252 = tpu.memref_slice %arg3[%multiple_of3A_249] : memref<640000xi32, #tpu.memory_space<hbm>> -> memref<80xi32, #tpu.memory_space<hbm>>
    %dma_start3A_253 = tpu.memref_slice %arg3[%multiple_of3A_249] : memref<640000xi32, #tpu.memory_space<hbm>> -> memref<80xi32, #tpu.memory_space<hbm>>
    tpu.enqueue_dma source(%dma_start3A_253 : memref<80xi32, #tpu.memory_space<hbm>>) target(%arg14 : memref<80xi32, #tpu.memory_space<vmem>>) target_semaphore(%arg24 : memref<!tpu.dma_semaphore, #tpu.memory_space<semaphore_mem>>)
    %dma_wait3A_254 = arith.constant 0 : i32
    %dma_wait3A_255 = arith.constant 0 : i32
    %dma_wait3A_256 = tpu.memref_slice %arg2[%dma_wait3A_254, %dma_wait3A_255] : memref<10000x128xf32, #tpu.memory_space<hbm>> -> memref<10000x128xf32, #tpu.memory_space<hbm>>
    tpu.wait_indirect_dma semaphore(%arg29 : memref<!tpu.dma_semaphore, #tpu.memory_space<semaphore_mem>>) src(%dma_wait3A_256 : memref<10000x128xf32, #tpu.memory_space<hbm>>) dst(%arg19 : memref<80x128xf32, #tpu.memory_space<vmem>>)
    %dma_start3A_257 = arith.constant 0 : i32
    %dma_start3A_258 = arith.constant 0 : i32
    %dma_start3A_259 = tpu.memref_slice %arg21[%dma_start3A_257, %dma_start3A_258] : memref<10000x128xf32, #tpu.memory_space<vmem_shared>> -> memref<10000x128xf32, #tpu.memory_space<vmem_shared>>
    tpu.enqueue_indirect_dma source(%arg19 : memref<80x128xf32, #tpu.memory_space<vmem>>) target(%dma_start3A_259 : memref<10000x128xf32, #tpu.memory_space<vmem_shared>>) offsets(%arg16 : memref<80xi32, #tpu.memory_space<vmem>>) semaphore(%arg32 : memref<!tpu.dma_semaphore, #tpu.memory_space<semaphore_mem>>) {add = true}
    %dma_wait3A_260 = arith.constant 0 : i32
    %dma_wait3A_261 = arith.constant 0 : i32
    %dma_wait3A_262 = tpu.memref_slice %arg21[%dma_wait3A_260, %dma_wait3A_261] : memref<10000x128xf32, #tpu.memory_space<vmem_shared>> -> memref<10000x128xf32, #tpu.memory_space<vmem_shared>>
    tpu.wait_indirect_dma semaphore(%arg32 : memref<!tpu.dma_semaphore, #tpu.memory_space<semaphore_mem>>) src(%arg19 : memref<80x128xf32, #tpu.memory_space<vmem>>) dst(%dma_wait3A_262 : memref<10000x128xf32, #tpu.memory_space<vmem_shared>>)
    %add3A_263 = arith.constant 560 : i32
    %add3A_264 = arith.addi %mul3A_2, %add3A_263 : i32
    %multiple_of3A_265 = tpu.assume_multiple %add3A_264, 8 : i32
    %add3A_266 = arith.constant 320000 : i32
    %add3A_267 = arith.addi %add3A_266, %mul3A_2 : i32
    %add3A_268 = arith.constant 560 : i32
    %add3A_269 = arith.addi %add3A_267, %add3A_268 : i32
    %multiple_of3A_270 = tpu.assume_multiple %add3A_269, 8 : i32
    %dma_wait3A_271 = tpu.memref_slice %arg3[%multiple_of3A_265] : memref<640000xi32, #tpu.memory_space<hbm>> -> memref<80xi32, #tpu.memory_space<hbm>>
    %dma_wait3A_272 = tpu.memref_slice %arg3[%multiple_of3A_265] : memref<640000xi32, #tpu.memory_space<hbm>> -> memref<80xi32, #tpu.memory_space<hbm>>
    tpu.wait_dma2 semaphore(%arg23 : memref<!tpu.dma_semaphore, #tpu.memory_space<semaphore_mem>>) src(%dma_wait3A_272 : memref<80xi32, #tpu.memory_space<hbm>>) dst(%arg7 : memref<80xi32, #tpu.memory_space<vmem>>)
    %dma_wait3A_273 = tpu.memref_slice %arg3[%multiple_of3A_270] : memref<640000xi32, #tpu.memory_space<hbm>> -> memref<80xi32, #tpu.memory_space<hbm>>
    %dma_wait3A_274 = tpu.memref_slice %arg3[%multiple_of3A_270] : memref<640000xi32, #tpu.memory_space<hbm>> -> memref<80xi32, #tpu.memory_space<hbm>>
    tpu.wait_dma2 semaphore(%arg23 : memref<!tpu.dma_semaphore, #tpu.memory_space<semaphore_mem>>) src(%dma_wait3A_274 : memref<80xi32, #tpu.memory_space<hbm>>) dst(%arg13 : memref<80xi32, #tpu.memory_space<vmem>>)
    %dma_start3A_275 = arith.constant 0 : i32
    %dma_start3A_276 = arith.constant 0 : i32
    %dma_start3A_277 = tpu.memref_slice %arg2[%dma_start3A_275, %dma_start3A_276] : memref<10000x128xf32, #tpu.memory_space<hbm>> -> memref<10000x128xf32, #tpu.memory_space<hbm>>
    tpu.enqueue_indirect_dma source(%dma_start3A_277 : memref<10000x128xf32, #tpu.memory_space<hbm>>) target(%arg19 : memref<80x128xf32, #tpu.memory_space<vmem>>) offsets(%arg7 : memref<80xi32, #tpu.memory_space<vmem>>) semaphore(%arg29 : memref<!tpu.dma_semaphore, #tpu.memory_space<semaphore_mem>>)
    %add3A_278 = arith.constant 720 : i32
    %add3A_279 = arith.addi %mul3A_2, %add3A_278 : i32
    %multiple_of3A_280 = tpu.assume_multiple %add3A_279, 8 : i32
    %add3A_281 = arith.constant 320000 : i32
    %add3A_282 = arith.addi %add3A_281, %mul3A_2 : i32
    %add3A_283 = arith.constant 720 : i32
    %add3A_284 = arith.addi %add3A_282, %add3A_283 : i32
    %multiple_of3A_285 = tpu.assume_multiple %add3A_284, 8 : i32
    %dma_start3A_286 = tpu.memref_slice %arg3[%multiple_of3A_280] : memref<640000xi32, #tpu.memory_space<hbm>> -> memref<80xi32, #tpu.memory_space<hbm>>
    %dma_start3A_287 = tpu.memref_slice %arg3[%multiple_of3A_280] : memref<640000xi32, #tpu.memory_space<hbm>> -> memref<80xi32, #tpu.memory_space<hbm>>
    tpu.enqueue_dma source(%dma_start3A_287 : memref<80xi32, #tpu.memory_space<hbm>>) target(%arg9 : memref<80xi32, #tpu.memory_space<vmem>>) target_semaphore(%arg25 : memref<!tpu.dma_semaphore, #tpu.memory_space<semaphore_mem>>)
    %dma_start3A_288 = tpu.memref_slice %arg3[%multiple_of3A_285] : memref<640000xi32, #tpu.memory_space<hbm>> -> memref<80xi32, #tpu.memory_space<hbm>>
    %dma_start3A_289 = tpu.memref_slice %arg3[%multiple_of3A_285] : memref<640000xi32, #tpu.memory_space<hbm>> -> memref<80xi32, #tpu.memory_space<hbm>>
    tpu.enqueue_dma source(%dma_start3A_289 : memref<80xi32, #tpu.memory_space<hbm>>) target(%arg15 : memref<80xi32, #tpu.memory_space<vmem>>) target_semaphore(%arg25 : memref<!tpu.dma_semaphore, #tpu.memory_space<semaphore_mem>>)
    %dma_wait3A_290 = arith.constant 0 : i32
    %dma_wait3A_291 = arith.constant 0 : i32
    %dma_wait3A_292 = tpu.memref_slice %arg2[%dma_wait3A_290, %dma_wait3A_291] : memref<10000x128xf32, #tpu.memory_space<hbm>> -> memref<10000x128xf32, #tpu.memory_space<hbm>>
    tpu.wait_indirect_dma semaphore(%arg30 : memref<!tpu.dma_semaphore, #tpu.memory_space<semaphore_mem>>) src(%dma_wait3A_292 : memref<10000x128xf32, #tpu.memory_space<hbm>>) dst(%arg20 : memref<80x128xf32, #tpu.memory_space<vmem>>)
    %dma_start3A_293 = arith.constant 0 : i32
    %dma_start3A_294 = arith.constant 0 : i32
    %dma_start3A_295 = tpu.memref_slice %arg21[%dma_start3A_293, %dma_start3A_294] : memref<10000x128xf32, #tpu.memory_space<vmem_shared>> -> memref<10000x128xf32, #tpu.memory_space<vmem_shared>>
    tpu.enqueue_indirect_dma source(%arg20 : memref<80x128xf32, #tpu.memory_space<vmem>>) target(%dma_start3A_295 : memref<10000x128xf32, #tpu.memory_space<vmem_shared>>) offsets(%arg17 : memref<80xi32, #tpu.memory_space<vmem>>) semaphore(%arg33 : memref<!tpu.dma_semaphore, #tpu.memory_space<semaphore_mem>>) {add = true}
    %scan3A = arith.constant 0 : i32
    %scan3A_296 = arith.constant 0 : i32
    %scan3A_297 = arith.constant 19 : i32
    %scan3A_298 = arith.addi %scan3A_296, %scan3A_297 : i32
    %scan3A_299 = arith.constant 1 : i32
    scf.for %scan3A_412 = %scan3A_296 to %scan3A_298 step %scan3A_299  : i32 {
      %mul3A_413 = arith.constant 6 : i32
      %mul3A_414 = arith.muli %scan3A_412, %mul3A_413 : i32
      %add3A_415 = arith.constant 6 : i32
      %add3A_416 = arith.addi %add3A_415, %mul3A_414 : i32
      %add3A_417 = arith.constant 0 : i32
      %add3A_418 = arith.addi %add3A_416, %add3A_417 : i32
      %sub3A = arith.constant 1 : i32
      %sub3A_419 = arith.subi %add3A_418, %sub3A : i32
      %dma_wait3A_420 = arith.constant 0 : i32
      %dma_wait3A_421 = arith.constant 0 : i32
      %dma_wait3A_422 = tpu.memref_slice %arg21[%dma_wait3A_420, %dma_wait3A_421] : memref<10000x128xf32, #tpu.memory_space<vmem_shared>> -> memref<10000x128xf32, #tpu.memory_space<vmem_shared>>
      tpu.wait_indirect_dma semaphore(%arg33 : memref<!tpu.dma_semaphore, #tpu.memory_space<semaphore_mem>>) src(%arg20 : memref<80x128xf32, #tpu.memory_space<vmem>>) dst(%dma_wait3A_422 : memref<10000x128xf32, #tpu.memory_space<vmem_shared>>)
      %add3A_423 = arith.constant 2 : i32
      %add3A_424 = arith.addi %add3A_418, %add3A_423 : i32
      %mul3A_425 = arith.constant 80 : i32
      %mul3A_426 = arith.muli %add3A_424, %mul3A_425 : i32
      %add3A_427 = arith.addi %mul3A_2, %mul3A_426 : i32
      %multiple_of3A_428 = tpu.assume_multiple %add3A_427, 8 : i32
      %add3A_429 = arith.constant 320000 : i32
      %add3A_430 = arith.addi %add3A_429, %mul3A_2 : i32
      %mul3A_431 = arith.constant 80 : i32
      %mul3A_432 = arith.muli %add3A_424, %mul3A_431 : i32
      %add3A_433 = arith.addi %add3A_430, %mul3A_432 : i32
      %multiple_of3A_434 = tpu.assume_multiple %add3A_433, 8 : i32
      %dma_wait3A_435 = tpu.memref_slice %arg3[%multiple_of3A_428] : memref<640000xi32, #tpu.memory_space<hbm>> -> memref<80xi32, #tpu.memory_space<hbm>>
      %dma_wait3A_436 = tpu.memref_slice %arg3[%multiple_of3A_428] : memref<640000xi32, #tpu.memory_space<hbm>> -> memref<80xi32, #tpu.memory_space<hbm>>
      tpu.wait_dma2 semaphore(%arg24 : memref<!tpu.dma_semaphore, #tpu.memory_space<semaphore_mem>>) src(%dma_wait3A_436 : memref<80xi32, #tpu.memory_space<hbm>>) dst(%arg8 : memref<80xi32, #tpu.memory_space<vmem>>)
      %dma_wait3A_437 = tpu.memref_slice %arg3[%multiple_of3A_434] : memref<640000xi32, #tpu.memory_space<hbm>> -> memref<80xi32, #tpu.memory_space<hbm>>
      %dma_wait3A_438 = tpu.memref_slice %arg3[%multiple_of3A_434] : memref<640000xi32, #tpu.memory_space<hbm>> -> memref<80xi32, #tpu.memory_space<hbm>>
      tpu.wait_dma2 semaphore(%arg24 : memref<!tpu.dma_semaphore, #tpu.memory_space<semaphore_mem>>) src(%dma_wait3A_438 : memref<80xi32, #tpu.memory_space<hbm>>) dst(%arg14 : memref<80xi32, #tpu.memory_space<vmem>>)
      %add3A_439 = arith.constant 2 : i32
      %add3A_440 = arith.addi %add3A_418, %add3A_439 : i32
      %dma_start3A_441 = arith.constant 0 : i32
      %dma_start3A_442 = arith.constant 0 : i32
      %dma_start3A_443 = tpu.memref_slice %arg2[%dma_start3A_441, %dma_start3A_442] : memref<10000x128xf32, #tpu.memory_space<hbm>> -> memref<10000x128xf32, #tpu.memory_space<hbm>>
      tpu.enqueue_indirect_dma source(%dma_start3A_443 : memref<10000x128xf32, #tpu.memory_space<hbm>>) target(%arg20 : memref<80x128xf32, #tpu.memory_space<vmem>>) offsets(%arg8 : memref<80xi32, #tpu.memory_space<vmem>>) semaphore(%arg30 : memref<!tpu.dma_semaphore, #tpu.memory_space<semaphore_mem>>)
      %add3A_444 = arith.constant 4 : i32
      %add3A_445 = arith.addi %add3A_418, %add3A_444 : i32
      %mul3A_446 = arith.constant 80 : i32
      %mul3A_447 = arith.muli %add3A_445, %mul3A_446 : i32
      %add3A_448 = arith.addi %mul3A_2, %mul3A_447 : i32
      %multiple_of3A_449 = tpu.assume_multiple %add3A_448, 8 : i32
      %add3A_450 = arith.constant 320000 : i32
      %add3A_451 = arith.addi %add3A_450, %mul3A_2 : i32
      %mul3A_452 = arith.constant 80 : i32
      %mul3A_453 = arith.muli %add3A_445, %mul3A_452 : i32
      %add3A_454 = arith.addi %add3A_451, %mul3A_453 : i32
      %multiple_of3A_455 = tpu.assume_multiple %add3A_454, 8 : i32
      %dma_start3A_456 = tpu.memref_slice %arg3[%multiple_of3A_449] : memref<640000xi32, #tpu.memory_space<hbm>> -> memref<80xi32, #tpu.memory_space<hbm>>
      %dma_start3A_457 = tpu.memref_slice %arg3[%multiple_of3A_449] : memref<640000xi32, #tpu.memory_space<hbm>> -> memref<80xi32, #tpu.memory_space<hbm>>
      tpu.enqueue_dma source(%dma_start3A_457 : memref<80xi32, #tpu.memory_space<hbm>>) target(%arg10 : memref<80xi32, #tpu.memory_space<vmem>>) target_semaphore(%arg26 : memref<!tpu.dma_semaphore, #tpu.memory_space<semaphore_mem>>)
      %dma_start3A_458 = tpu.memref_slice %arg3[%multiple_of3A_455] : memref<640000xi32, #tpu.memory_space<hbm>> -> memref<80xi32, #tpu.memory_space<hbm>>
      %dma_start3A_459 = tpu.memref_slice %arg3[%multiple_of3A_455] : memref<640000xi32, #tpu.memory_space<hbm>> -> memref<80xi32, #tpu.memory_space<hbm>>
      tpu.enqueue_dma source(%dma_start3A_459 : memref<80xi32, #tpu.memory_space<hbm>>) target(%arg16 : memref<80xi32, #tpu.memory_space<vmem>>) target_semaphore(%arg26 : memref<!tpu.dma_semaphore, #tpu.memory_space<semaphore_mem>>)
      %dma_wait3A_460 = arith.constant 0 : i32
      %dma_wait3A_461 = arith.constant 0 : i32
      %dma_wait3A_462 = tpu.memref_slice %arg2[%dma_wait3A_460, %dma_wait3A_461] : memref<10000x128xf32, #tpu.memory_space<hbm>> -> memref<10000x128xf32, #tpu.memory_space<hbm>>
      tpu.wait_indirect_dma semaphore(%arg28 : memref<!tpu.dma_semaphore, #tpu.memory_space<semaphore_mem>>) src(%dma_wait3A_462 : memref<10000x128xf32, #tpu.memory_space<hbm>>) dst(%arg18 : memref<80x128xf32, #tpu.memory_space<vmem>>)
      %dma_start3A_463 = arith.constant 0 : i32
      %dma_start3A_464 = arith.constant 0 : i32
      %dma_start3A_465 = tpu.memref_slice %arg21[%dma_start3A_463, %dma_start3A_464] : memref<10000x128xf32, #tpu.memory_space<vmem_shared>> -> memref<10000x128xf32, #tpu.memory_space<vmem_shared>>
      tpu.enqueue_indirect_dma source(%arg18 : memref<80x128xf32, #tpu.memory_space<vmem>>) target(%dma_start3A_465 : memref<10000x128xf32, #tpu.memory_space<vmem_shared>>) offsets(%arg12 : memref<80xi32, #tpu.memory_space<vmem>>) semaphore(%arg31 : memref<!tpu.dma_semaphore, #tpu.memory_space<semaphore_mem>>) {add = true}
      %add3A_466 = arith.constant 1 : i32
      %add3A_467 = arith.addi %add3A_416, %add3A_466 : i32
      %sub3A_468 = arith.constant 1 : i32
      %sub3A_469 = arith.subi %add3A_467, %sub3A_468 : i32
      %dma_wait3A_470 = arith.constant 0 : i32
      %dma_wait3A_471 = arith.constant 0 : i32
      %dma_wait3A_472 = tpu.memref_slice %arg21[%dma_wait3A_470, %dma_wait3A_471] : memref<10000x128xf32, #tpu.memory_space<vmem_shared>> -> memref<10000x128xf32, #tpu.memory_space<vmem_shared>>
      tpu.wait_indirect_dma semaphore(%arg31 : memref<!tpu.dma_semaphore, #tpu.memory_space<semaphore_mem>>) src(%arg18 : memref<80x128xf32, #tpu.memory_space<vmem>>) dst(%dma_wait3A_472 : memref<10000x128xf32, #tpu.memory_space<vmem_shared>>)
      %add3A_473 = arith.constant 2 : i32
      %add3A_474 = arith.addi %add3A_467, %add3A_473 : i32
      %mul3A_475 = arith.constant 80 : i32
      %mul3A_476 = arith.muli %add3A_474, %mul3A_475 : i32
      %add3A_477 = arith.addi %mul3A_2, %mul3A_476 : i32
      %multiple_of3A_478 = tpu.assume_multiple %add3A_477, 8 : i32
      %add3A_479 = arith.constant 320000 : i32
      %add3A_480 = arith.addi %add3A_479, %mul3A_2 : i32
      %mul3A_481 = arith.constant 80 : i32
      %mul3A_482 = arith.muli %add3A_474, %mul3A_481 : i32
      %add3A_483 = arith.addi %add3A_480, %mul3A_482 : i32
      %multiple_of3A_484 = tpu.assume_multiple %add3A_483, 8 : i32
      %dma_wait3A_485 = tpu.memref_slice %arg3[%multiple_of3A_478] : memref<640000xi32, #tpu.memory_space<hbm>> -> memref<80xi32, #tpu.memory_space<hbm>>
      %dma_wait3A_486 = tpu.memref_slice %arg3[%multiple_of3A_478] : memref<640000xi32, #tpu.memory_space<hbm>> -> memref<80xi32, #tpu.memory_space<hbm>>
      tpu.wait_dma2 semaphore(%arg25 : memref<!tpu.dma_semaphore, #tpu.memory_space<semaphore_mem>>) src(%dma_wait3A_486 : memref<80xi32, #tpu.memory_space<hbm>>) dst(%arg9 : memref<80xi32, #tpu.memory_space<vmem>>)
      %dma_wait3A_487 = tpu.memref_slice %arg3[%multiple_of3A_484] : memref<640000xi32, #tpu.memory_space<hbm>> -> memref<80xi32, #tpu.memory_space<hbm>>
      %dma_wait3A_488 = tpu.memref_slice %arg3[%multiple_of3A_484] : memref<640000xi32, #tpu.memory_space<hbm>> -> memref<80xi32, #tpu.memory_space<hbm>>
      tpu.wait_dma2 semaphore(%arg25 : memref<!tpu.dma_semaphore, #tpu.memory_space<semaphore_mem>>) src(%dma_wait3A_488 : memref<80xi32, #tpu.memory_space<hbm>>) dst(%arg15 : memref<80xi32, #tpu.memory_space<vmem>>)
      %add3A_489 = arith.constant 2 : i32
      %add3A_490 = arith.addi %add3A_467, %add3A_489 : i32
      %dma_start3A_491 = arith.constant 0 : i32
      %dma_start3A_492 = arith.constant 0 : i32
      %dma_start3A_493 = tpu.memref_slice %arg2[%dma_start3A_491, %dma_start3A_492] : memref<10000x128xf32, #tpu.memory_space<hbm>> -> memref<10000x128xf32, #tpu.memory_space<hbm>>
      tpu.enqueue_indirect_dma source(%dma_start3A_493 : memref<10000x128xf32, #tpu.memory_space<hbm>>) target(%arg18 : memref<80x128xf32, #tpu.memory_space<vmem>>) offsets(%arg9 : memref<80xi32, #tpu.memory_space<vmem>>) semaphore(%arg28 : memref<!tpu.dma_semaphore, #tpu.memory_space<semaphore_mem>>)
      %add3A_494 = arith.constant 4 : i32
      %add3A_495 = arith.addi %add3A_467, %add3A_494 : i32
      %mul3A_496 = arith.constant 80 : i32
      %mul3A_497 = arith.muli %add3A_495, %mul3A_496 : i32
      %add3A_498 = arith.addi %mul3A_2, %mul3A_497 : i32
      %multiple_of3A_499 = tpu.assume_multiple %add3A_498, 8 : i32
      %add3A_500 = arith.constant 320000 : i32
      %add3A_501 = arith.addi %add3A_500, %mul3A_2 : i32
      %mul3A_502 = arith.constant 80 : i32
      %mul3A_503 = arith.muli %add3A_495, %mul3A_502 : i32
      %add3A_504 = arith.addi %add3A_501, %mul3A_503 : i32
      %multiple_of3A_505 = tpu.assume_multiple %add3A_504, 8 : i32
      %dma_start3A_506 = tpu.memref_slice %arg3[%multiple_of3A_499] : memref<640000xi32, #tpu.memory_space<hbm>> -> memref<80xi32, #tpu.memory_space<hbm>>
      %dma_start3A_507 = tpu.memref_slice %arg3[%multiple_of3A_499] : memref<640000xi32, #tpu.memory_space<hbm>> -> memref<80xi32, #tpu.memory_space<hbm>>
      tpu.enqueue_dma source(%dma_start3A_507 : memref<80xi32, #tpu.memory_space<hbm>>) target(%arg11 : memref<80xi32, #tpu.memory_space<vmem>>) target_semaphore(%arg27 : memref<!tpu.dma_semaphore, #tpu.memory_space<semaphore_mem>>)
      %dma_start3A_508 = tpu.memref_slice %arg3[%multiple_of3A_505] : memref<640000xi32, #tpu.memory_space<hbm>> -> memref<80xi32, #tpu.memory_space<hbm>>
      %dma_start3A_509 = tpu.memref_slice %arg3[%multiple_of3A_505] : memref<640000xi32, #tpu.memory_space<hbm>> -> memref<80xi32, #tpu.memory_space<hbm>>
      tpu.enqueue_dma source(%dma_start3A_509 : memref<80xi32, #tpu.memory_space<hbm>>) target(%arg17 : memref<80xi32, #tpu.memory_space<vmem>>) target_semaphore(%arg27 : memref<!tpu.dma_semaphore, #tpu.memory_space<semaphore_mem>>)
      %dma_wait3A_510 = arith.constant 0 : i32
      %dma_wait3A_511 = arith.constant 0 : i32
      %dma_wait3A_512 = tpu.memref_slice %arg2[%dma_wait3A_510, %dma_wait3A_511] : memref<10000x128xf32, #tpu.memory_space<hbm>> -> memref<10000x128xf32, #tpu.memory_space<hbm>>
      tpu.wait_indirect_dma semaphore(%arg29 : memref<!tpu.dma_semaphore, #tpu.memory_space<semaphore_mem>>) src(%dma_wait3A_512 : memref<10000x128xf32, #tpu.memory_space<hbm>>) dst(%arg19 : memref<80x128xf32, #tpu.memory_space<vmem>>)
      %dma_start3A_513 = arith.constant 0 : i32
      %dma_start3A_514 = arith.constant 0 : i32
      %dma_start3A_515 = tpu.memref_slice %arg21[%dma_start3A_513, %dma_start3A_514] : memref<10000x128xf32, #tpu.memory_space<vmem_shared>> -> memref<10000x128xf32, #tpu.memory_space<vmem_shared>>
      tpu.enqueue_indirect_dma source(%arg19 : memref<80x128xf32, #tpu.memory_space<vmem>>) target(%dma_start3A_515 : memref<10000x128xf32, #tpu.memory_space<vmem_shared>>) offsets(%arg13 : memref<80xi32, #tpu.memory_space<vmem>>) semaphore(%arg32 : memref<!tpu.dma_semaphore, #tpu.memory_space<semaphore_mem>>) {add = true}
      %add3A_516 = arith.constant 2 : i32
      %add3A_517 = arith.addi %add3A_416, %add3A_516 : i32
      %sub3A_518 = arith.constant 1 : i32
      %sub3A_519 = arith.subi %add3A_517, %sub3A_518 : i32
      %dma_wait3A_520 = arith.constant 0 : i32
      %dma_wait3A_521 = arith.constant 0 : i32
      %dma_wait3A_522 = tpu.memref_slice %arg21[%dma_wait3A_520, %dma_wait3A_521] : memref<10000x128xf32, #tpu.memory_space<vmem_shared>> -> memref<10000x128xf32, #tpu.memory_space<vmem_shared>>
      tpu.wait_indirect_dma semaphore(%arg32 : memref<!tpu.dma_semaphore, #tpu.memory_space<semaphore_mem>>) src(%arg19 : memref<80x128xf32, #tpu.memory_space<vmem>>) dst(%dma_wait3A_522 : memref<10000x128xf32, #tpu.memory_space<vmem_shared>>)
      %add3A_523 = arith.constant 2 : i32
      %add3A_524 = arith.addi %add3A_517, %add3A_523 : i32
      %mul3A_525 = arith.constant 80 : i32
      %mul3A_526 = arith.muli %add3A_524, %mul3A_525 : i32
      %add3A_527 = arith.addi %mul3A_2, %mul3A_526 : i32
      %multiple_of3A_528 = tpu.assume_multiple %add3A_527, 8 : i32
      %add3A_529 = arith.constant 320000 : i32
      %add3A_530 = arith.addi %add3A_529, %mul3A_2 : i32
      %mul3A_531 = arith.constant 80 : i32
      %mul3A_532 = arith.muli %add3A_524, %mul3A_531 : i32
      %add3A_533 = arith.addi %add3A_530, %mul3A_532 : i32
      %multiple_of3A_534 = tpu.assume_multiple %add3A_533, 8 : i32
      %dma_wait3A_535 = tpu.memref_slice %arg3[%multiple_of3A_528] : memref<640000xi32, #tpu.memory_space<hbm>> -> memref<80xi32, #tpu.memory_space<hbm>>
      %dma_wait3A_536 = tpu.memref_slice %arg3[%multiple_of3A_528] : memref<640000xi32, #tpu.memory_space<hbm>> -> memref<80xi32, #tpu.memory_space<hbm>>
      tpu.wait_dma2 semaphore(%arg26 : memref<!tpu.dma_semaphore, #tpu.memory_space<semaphore_mem>>) src(%dma_wait3A_536 : memref<80xi32, #tpu.memory_space<hbm>>) dst(%arg10 : memref<80xi32, #tpu.memory_space<vmem>>)
      %dma_wait3A_537 = tpu.memref_slice %arg3[%multiple_of3A_534] : memref<640000xi32, #tpu.memory_space<hbm>> -> memref<80xi32, #tpu.memory_space<hbm>>
      %dma_wait3A_538 = tpu.memref_slice %arg3[%multiple_of3A_534] : memref<640000xi32, #tpu.memory_space<hbm>> -> memref<80xi32, #tpu.memory_space<hbm>>
      tpu.wait_dma2 semaphore(%arg26 : memref<!tpu.dma_semaphore, #tpu.memory_space<semaphore_mem>>) src(%dma_wait3A_538 : memref<80xi32, #tpu.memory_space<hbm>>) dst(%arg16 : memref<80xi32, #tpu.memory_space<vmem>>)
      %add3A_539 = arith.constant 2 : i32
      %add3A_540 = arith.addi %add3A_517, %add3A_539 : i32
      %dma_start3A_541 = arith.constant 0 : i32
      %dma_start3A_542 = arith.constant 0 : i32
      %dma_start3A_543 = tpu.memref_slice %arg2[%dma_start3A_541, %dma_start3A_542] : memref<10000x128xf32, #tpu.memory_space<hbm>> -> memref<10000x128xf32, #tpu.memory_space<hbm>>
      tpu.enqueue_indirect_dma source(%dma_start3A_543 : memref<10000x128xf32, #tpu.memory_space<hbm>>) target(%arg19 : memref<80x128xf32, #tpu.memory_space<vmem>>) offsets(%arg10 : memref<80xi32, #tpu.memory_space<vmem>>) semaphore(%arg29 : memref<!tpu.dma_semaphore, #tpu.memory_space<semaphore_mem>>)
      %add3A_544 = arith.constant 4 : i32
      %add3A_545 = arith.addi %add3A_517, %add3A_544 : i32
      %mul3A_546 = arith.constant 80 : i32
      %mul3A_547 = arith.muli %add3A_545, %mul3A_546 : i32
      %add3A_548 = arith.addi %mul3A_2, %mul3A_547 : i32
      %multiple_of3A_549 = tpu.assume_multiple %add3A_548, 8 : i32
      %add3A_550 = arith.constant 320000 : i32
      %add3A_551 = arith.addi %add3A_550, %mul3A_2 : i32
      %mul3A_552 = arith.constant 80 : i32
      %mul3A_553 = arith.muli %add3A_545, %mul3A_552 : i32
      %add3A_554 = arith.addi %add3A_551, %mul3A_553 : i32
      %multiple_of3A_555 = tpu.assume_multiple %add3A_554, 8 : i32
      %dma_start3A_556 = tpu.memref_slice %arg3[%multiple_of3A_549] : memref<640000xi32, #tpu.memory_space<hbm>> -> memref<80xi32, #tpu.memory_space<hbm>>
      %dma_start3A_557 = tpu.memref_slice %arg3[%multiple_of3A_549] : memref<640000xi32, #tpu.memory_space<hbm>> -> memref<80xi32, #tpu.memory_space<hbm>>
      tpu.enqueue_dma source(%dma_start3A_557 : memref<80xi32, #tpu.memory_space<hbm>>) target(%arg6 : memref<80xi32, #tpu.memory_space<vmem>>) target_semaphore(%arg22 : memref<!tpu.dma_semaphore, #tpu.memory_space<semaphore_mem>>)
      %dma_start3A_558 = tpu.memref_slice %arg3[%multiple_of3A_555] : memref<640000xi32, #tpu.memory_space<hbm>> -> memref<80xi32, #tpu.memory_space<hbm>>
      %dma_start3A_559 = tpu.memref_slice %arg3[%multiple_of3A_555] : memref<640000xi32, #tpu.memory_space<hbm>> -> memref<80xi32, #tpu.memory_space<hbm>>
      tpu.enqueue_dma source(%dma_start3A_559 : memref<80xi32, #tpu.memory_space<hbm>>) target(%arg12 : memref<80xi32, #tpu.memory_space<vmem>>) target_semaphore(%arg22 : memref<!tpu.dma_semaphore, #tpu.memory_space<semaphore_mem>>)
      %dma_wait3A_560 = arith.constant 0 : i32
      %dma_wait3A_561 = arith.constant 0 : i32
      %dma_wait3A_562 = tpu.memref_slice %arg2[%dma_wait3A_560, %dma_wait3A_561] : memref<10000x128xf32, #tpu.memory_space<hbm>> -> memref<10000x128xf32, #tpu.memory_space<hbm>>
      tpu.wait_indirect_dma semaphore(%arg30 : memref<!tpu.dma_semaphore, #tpu.memory_space<semaphore_mem>>) src(%dma_wait3A_562 : memref<10000x128xf32, #tpu.memory_space<hbm>>) dst(%arg20 : memref<80x128xf32, #tpu.memory_space<vmem>>)
      %dma_start3A_563 = arith.constant 0 : i32
      %dma_start3A_564 = arith.constant 0 : i32
      %dma_start3A_565 = tpu.memref_slice %arg21[%dma_start3A_563, %dma_start3A_564] : memref<10000x128xf32, #tpu.memory_space<vmem_shared>> -> memref<10000x128xf32, #tpu.memory_space<vmem_shared>>
      tpu.enqueue_indirect_dma source(%arg20 : memref<80x128xf32, #tpu.memory_space<vmem>>) target(%dma_start3A_565 : memref<10000x128xf32, #tpu.memory_space<vmem_shared>>) offsets(%arg14 : memref<80xi32, #tpu.memory_space<vmem>>) semaphore(%arg33 : memref<!tpu.dma_semaphore, #tpu.memory_space<semaphore_mem>>) {add = true}
      %add3A_566 = arith.constant 3 : i32
      %add3A_567 = arith.addi %add3A_416, %add3A_566 : i32
      %sub3A_568 = arith.constant 1 : i32
      %sub3A_569 = arith.subi %add3A_567, %sub3A_568 : i32
      %dma_wait3A_570 = arith.constant 0 : i32
      %dma_wait3A_571 = arith.constant 0 : i32
      %dma_wait3A_572 = tpu.memref_slice %arg21[%dma_wait3A_570, %dma_wait3A_571] : memref<10000x128xf32, #tpu.memory_space<vmem_shared>> -> memref<10000x128xf32, #tpu.memory_space<vmem_shared>>
      tpu.wait_indirect_dma semaphore(%arg33 : memref<!tpu.dma_semaphore, #tpu.memory_space<semaphore_mem>>) src(%arg20 : memref<80x128xf32, #tpu.memory_space<vmem>>) dst(%dma_wait3A_572 : memref<10000x128xf32, #tpu.memory_space<vmem_shared>>)
      %add3A_573 = arith.constant 2 : i32
      %add3A_574 = arith.addi %add3A_567, %add3A_573 : i32
      %mul3A_575 = arith.constant 80 : i32
      %mul3A_576 = arith.muli %add3A_574, %mul3A_575 : i32
      %add3A_577 = arith.addi %mul3A_2, %mul3A_576 : i32
      %multiple_of3A_578 = tpu.assume_multiple %add3A_577, 8 : i32
      %add3A_579 = arith.constant 320000 : i32
      %add3A_580 = arith.addi %add3A_579, %mul3A_2 : i32
      %mul3A_581 = arith.constant 80 : i32
      %mul3A_582 = arith.muli %add3A_574, %mul3A_581 : i32
      %add3A_583 = arith.addi %add3A_580, %mul3A_582 : i32
      %multiple_of3A_584 = tpu.assume_multiple %add3A_583, 8 : i32
      %dma_wait3A_585 = tpu.memref_slice %arg3[%multiple_of3A_578] : memref<640000xi32, #tpu.memory_space<hbm>> -> memref<80xi32, #tpu.memory_space<hbm>>
      %dma_wait3A_586 = tpu.memref_slice %arg3[%multiple_of3A_578] : memref<640000xi32, #tpu.memory_space<hbm>> -> memref<80xi32, #tpu.memory_space<hbm>>
      tpu.wait_dma2 semaphore(%arg27 : memref<!tpu.dma_semaphore, #tpu.memory_space<semaphore_mem>>) src(%dma_wait3A_586 : memref<80xi32, #tpu.memory_space<hbm>>) dst(%arg11 : memref<80xi32, #tpu.memory_space<vmem>>)
      %dma_wait3A_587 = tpu.memref_slice %arg3[%multiple_of3A_584] : memref<640000xi32, #tpu.memory_space<hbm>> -> memref<80xi32, #tpu.memory_space<hbm>>
      %dma_wait3A_588 = tpu.memref_slice %arg3[%multiple_of3A_584] : memref<640000xi32, #tpu.memory_space<hbm>> -> memref<80xi32, #tpu.memory_space<hbm>>
      tpu.wait_dma2 semaphore(%arg27 : memref<!tpu.dma_semaphore, #tpu.memory_space<semaphore_mem>>) src(%dma_wait3A_588 : memref<80xi32, #tpu.memory_space<hbm>>) dst(%arg17 : memref<80xi32, #tpu.memory_space<vmem>>)
      %add3A_589 = arith.constant 2 : i32
      %add3A_590 = arith.addi %add3A_567, %add3A_589 : i32
      %dma_start3A_591 = arith.constant 0 : i32
      %dma_start3A_592 = arith.constant 0 : i32
      %dma_start3A_593 = tpu.memref_slice %arg2[%dma_start3A_591, %dma_start3A_592] : memref<10000x128xf32, #tpu.memory_space<hbm>> -> memref<10000x128xf32, #tpu.memory_space<hbm>>
      tpu.enqueue_indirect_dma source(%dma_start3A_593 : memref<10000x128xf32, #tpu.memory_space<hbm>>) target(%arg20 : memref<80x128xf32, #tpu.memory_space<vmem>>) offsets(%arg11 : memref<80xi32, #tpu.memory_space<vmem>>) semaphore(%arg30 : memref<!tpu.dma_semaphore, #tpu.memory_space<semaphore_mem>>)
      %add3A_594 = arith.constant 4 : i32
      %add3A_595 = arith.addi %add3A_567, %add3A_594 : i32
      %mul3A_596 = arith.constant 80 : i32
      %mul3A_597 = arith.muli %add3A_595, %mul3A_596 : i32
      %add3A_598 = arith.addi %mul3A_2, %mul3A_597 : i32
      %multiple_of3A_599 = tpu.assume_multiple %add3A_598, 8 : i32
      %add3A_600 = arith.constant 320000 : i32
      %add3A_601 = arith.addi %add3A_600, %mul3A_2 : i32
      %mul3A_602 = arith.constant 80 : i32
      %mul3A_603 = arith.muli %add3A_595, %mul3A_602 : i32
      %add3A_604 = arith.addi %add3A_601, %mul3A_603 : i32
      %multiple_of3A_605 = tpu.assume_multiple %add3A_604, 8 : i32
      %dma_start3A_606 = tpu.memref_slice %arg3[%multiple_of3A_599] : memref<640000xi32, #tpu.memory_space<hbm>> -> memref<80xi32, #tpu.memory_space<hbm>>
      %dma_start3A_607 = tpu.memref_slice %arg3[%multiple_of3A_599] : memref<640000xi32, #tpu.memory_space<hbm>> -> memref<80xi32, #tpu.memory_space<hbm>>
      tpu.enqueue_dma source(%dma_start3A_607 : memref<80xi32, #tpu.memory_space<hbm>>) target(%arg7 : memref<80xi32, #tpu.memory_space<vmem>>) target_semaphore(%arg23 : memref<!tpu.dma_semaphore, #tpu.memory_space<semaphore_mem>>)
      %dma_start3A_608 = tpu.memref_slice %arg3[%multiple_of3A_605] : memref<640000xi32, #tpu.memory_space<hbm>> -> memref<80xi32, #tpu.memory_space<hbm>>
      %dma_start3A_609 = tpu.memref_slice %arg3[%multiple_of3A_605] : memref<640000xi32, #tpu.memory_space<hbm>> -> memref<80xi32, #tpu.memory_space<hbm>>
      tpu.enqueue_dma source(%dma_start3A_609 : memref<80xi32, #tpu.memory_space<hbm>>) target(%arg13 : memref<80xi32, #tpu.memory_space<vmem>>) target_semaphore(%arg23 : memref<!tpu.dma_semaphore, #tpu.memory_space<semaphore_mem>>)
      %dma_wait3A_610 = arith.constant 0 : i32
      %dma_wait3A_611 = arith.constant 0 : i32
      %dma_wait3A_612 = tpu.memref_slice %arg2[%dma_wait3A_610, %dma_wait3A_611] : memref<10000x128xf32, #tpu.memory_space<hbm>> -> memref<10000x128xf32, #tpu.memory_space<hbm>>
      tpu.wait_indirect_dma semaphore(%arg28 : memref<!tpu.dma_semaphore, #tpu.memory_space<semaphore_mem>>) src(%dma_wait3A_612 : memref<10000x128xf32, #tpu.memory_space<hbm>>) dst(%arg18 : memref<80x128xf32, #tpu.memory_space<vmem>>)
      %dma_start3A_613 = arith.constant 0 : i32
      %dma_start3A_614 = arith.constant 0 : i32
      %dma_start3A_615 = tpu.memref_slice %arg21[%dma_start3A_613, %dma_start3A_614] : memref<10000x128xf32, #tpu.memory_space<vmem_shared>> -> memref<10000x128xf32, #tpu.memory_space<vmem_shared>>
      tpu.enqueue_indirect_dma source(%arg18 : memref<80x128xf32, #tpu.memory_space<vmem>>) target(%dma_start3A_615 : memref<10000x128xf32, #tpu.memory_space<vmem_shared>>) offsets(%arg15 : memref<80xi32, #tpu.memory_space<vmem>>) semaphore(%arg31 : memref<!tpu.dma_semaphore, #tpu.memory_space<semaphore_mem>>) {add = true}
      %add3A_616 = arith.constant 4 : i32
      %add3A_617 = arith.addi %add3A_416, %add3A_616 : i32
      %sub3A_618 = arith.constant 1 : i32
      %sub3A_619 = arith.subi %add3A_617, %sub3A_618 : i32
      %dma_wait3A_620 = arith.constant 0 : i32
      %dma_wait3A_621 = arith.constant 0 : i32
      %dma_wait3A_622 = tpu.memref_slice %arg21[%dma_wait3A_620, %dma_wait3A_621] : memref<10000x128xf32, #tpu.memory_space<vmem_shared>> -> memref<10000x128xf32, #tpu.memory_space<vmem_shared>>
      tpu.wait_indirect_dma semaphore(%arg31 : memref<!tpu.dma_semaphore, #tpu.memory_space<semaphore_mem>>) src(%arg18 : memref<80x128xf32, #tpu.memory_space<vmem>>) dst(%dma_wait3A_622 : memref<10000x128xf32, #tpu.memory_space<vmem_shared>>)
      %add3A_623 = arith.constant 2 : i32
      %add3A_624 = arith.addi %add3A_617, %add3A_623 : i32
      %mul3A_625 = arith.constant 80 : i32
      %mul3A_626 = arith.muli %add3A_624, %mul3A_625 : i32
      %add3A_627 = arith.addi %mul3A_2, %mul3A_626 : i32
      %multiple_of3A_628 = tpu.assume_multiple %add3A_627, 8 : i32
      %add3A_629 = arith.constant 320000 : i32
      %add3A_630 = arith.addi %add3A_629, %mul3A_2 : i32
      %mul3A_631 = arith.constant 80 : i32
      %mul3A_632 = arith.muli %add3A_624, %mul3A_631 : i32
      %add3A_633 = arith.addi %add3A_630, %mul3A_632 : i32
      %multiple_of3A_634 = tpu.assume_multiple %add3A_633, 8 : i32
      %dma_wait3A_635 = tpu.memref_slice %arg3[%multiple_of3A_628] : memref<640000xi32, #tpu.memory_space<hbm>> -> memref<80xi32, #tpu.memory_space<hbm>>
      %dma_wait3A_636 = tpu.memref_slice %arg3[%multiple_of3A_628] : memref<640000xi32, #tpu.memory_space<hbm>> -> memref<80xi32, #tpu.memory_space<hbm>>
      tpu.wait_dma2 semaphore(%arg22 : memref<!tpu.dma_semaphore, #tpu.memory_space<semaphore_mem>>) src(%dma_wait3A_636 : memref<80xi32, #tpu.memory_space<hbm>>) dst(%arg6 : memref<80xi32, #tpu.memory_space<vmem>>)
      %dma_wait3A_637 = tpu.memref_slice %arg3[%multiple_of3A_634] : memref<640000xi32, #tpu.memory_space<hbm>> -> memref<80xi32, #tpu.memory_space<hbm>>
      %dma_wait3A_638 = tpu.memref_slice %arg3[%multiple_of3A_634] : memref<640000xi32, #tpu.memory_space<hbm>> -> memref<80xi32, #tpu.memory_space<hbm>>
      tpu.wait_dma2 semaphore(%arg22 : memref<!tpu.dma_semaphore, #tpu.memory_space<semaphore_mem>>) src(%dma_wait3A_638 : memref<80xi32, #tpu.memory_space<hbm>>) dst(%arg12 : memref<80xi32, #tpu.memory_space<vmem>>)
      %add3A_639 = arith.constant 2 : i32
      %add3A_640 = arith.addi %add3A_617, %add3A_639 : i32
      %dma_start3A_641 = arith.constant 0 : i32
      %dma_start3A_642 = arith.constant 0 : i32
      %dma_start3A_643 = tpu.memref_slice %arg2[%dma_start3A_641, %dma_start3A_642] : memref<10000x128xf32, #tpu.memory_space<hbm>> -> memref<10000x128xf32, #tpu.memory_space<hbm>>
      tpu.enqueue_indirect_dma source(%dma_start3A_643 : memref<10000x128xf32, #tpu.memory_space<hbm>>) target(%arg18 : memref<80x128xf32, #tpu.memory_space<vmem>>) offsets(%arg6 : memref<80xi32, #tpu.memory_space<vmem>>) semaphore(%arg28 : memref<!tpu.dma_semaphore, #tpu.memory_space<semaphore_mem>>)
      %add3A_644 = arith.constant 4 : i32
      %add3A_645 = arith.addi %add3A_617, %add3A_644 : i32
      %mul3A_646 = arith.constant 80 : i32
      %mul3A_647 = arith.muli %add3A_645, %mul3A_646 : i32
      %add3A_648 = arith.addi %mul3A_2, %mul3A_647 : i32
      %multiple_of3A_649 = tpu.assume_multiple %add3A_648, 8 : i32
      %add3A_650 = arith.constant 320000 : i32
      %add3A_651 = arith.addi %add3A_650, %mul3A_2 : i32
      %mul3A_652 = arith.constant 80 : i32
      %mul3A_653 = arith.muli %add3A_645, %mul3A_652 : i32
      %add3A_654 = arith.addi %add3A_651, %mul3A_653 : i32
      %multiple_of3A_655 = tpu.assume_multiple %add3A_654, 8 : i32
      %dma_start3A_656 = tpu.memref_slice %arg3[%multiple_of3A_649] : memref<640000xi32, #tpu.memory_space<hbm>> -> memref<80xi32, #tpu.memory_space<hbm>>
      %dma_start3A_657 = tpu.memref_slice %arg3[%multiple_of3A_649] : memref<640000xi32, #tpu.memory_space<hbm>> -> memref<80xi32, #tpu.memory_space<hbm>>
      tpu.enqueue_dma source(%dma_start3A_657 : memref<80xi32, #tpu.memory_space<hbm>>) target(%arg8 : memref<80xi32, #tpu.memory_space<vmem>>) target_semaphore(%arg24 : memref<!tpu.dma_semaphore, #tpu.memory_space<semaphore_mem>>)
      %dma_start3A_658 = tpu.memref_slice %arg3[%multiple_of3A_655] : memref<640000xi32, #tpu.memory_space<hbm>> -> memref<80xi32, #tpu.memory_space<hbm>>
      %dma_start3A_659 = tpu.memref_slice %arg3[%multiple_of3A_655] : memref<640000xi32, #tpu.memory_space<hbm>> -> memref<80xi32, #tpu.memory_space<hbm>>
      tpu.enqueue_dma source(%dma_start3A_659 : memref<80xi32, #tpu.memory_space<hbm>>) target(%arg14 : memref<80xi32, #tpu.memory_space<vmem>>) target_semaphore(%arg24 : memref<!tpu.dma_semaphore, #tpu.memory_space<semaphore_mem>>)
      %dma_wait3A_660 = arith.constant 0 : i32
      %dma_wait3A_661 = arith.constant 0 : i32
      %dma_wait3A_662 = tpu.memref_slice %arg2[%dma_wait3A_660, %dma_wait3A_661] : memref<10000x128xf32, #tpu.memory_space<hbm>> -> memref<10000x128xf32, #tpu.memory_space<hbm>>
      tpu.wait_indirect_dma semaphore(%arg29 : memref<!tpu.dma_semaphore, #tpu.memory_space<semaphore_mem>>) src(%dma_wait3A_662 : memref<10000x128xf32, #tpu.memory_space<hbm>>) dst(%arg19 : memref<80x128xf32, #tpu.memory_space<vmem>>)
      %dma_start3A_663 = arith.constant 0 : i32
      %dma_start3A_664 = arith.constant 0 : i32
      %dma_start3A_665 = tpu.memref_slice %arg21[%dma_start3A_663, %dma_start3A_664] : memref<10000x128xf32, #tpu.memory_space<vmem_shared>> -> memref<10000x128xf32, #tpu.memory_space<vmem_shared>>
      tpu.enqueue_indirect_dma source(%arg19 : memref<80x128xf32, #tpu.memory_space<vmem>>) target(%dma_start3A_665 : memref<10000x128xf32, #tpu.memory_space<vmem_shared>>) offsets(%arg16 : memref<80xi32, #tpu.memory_space<vmem>>) semaphore(%arg32 : memref<!tpu.dma_semaphore, #tpu.memory_space<semaphore_mem>>) {add = true}
      %add3A_666 = arith.constant 5 : i32
      %add3A_667 = arith.addi %add3A_416, %add3A_666 : i32
      %sub3A_668 = arith.constant 1 : i32
      %sub3A_669 = arith.subi %add3A_667, %sub3A_668 : i32
      %dma_wait3A_670 = arith.constant 0 : i32
      %dma_wait3A_671 = arith.constant 0 : i32
      %dma_wait3A_672 = tpu.memref_slice %arg21[%dma_wait3A_670, %dma_wait3A_671] : memref<10000x128xf32, #tpu.memory_space<vmem_shared>> -> memref<10000x128xf32, #tpu.memory_space<vmem_shared>>
      tpu.wait_indirect_dma semaphore(%arg32 : memref<!tpu.dma_semaphore, #tpu.memory_space<semaphore_mem>>) src(%arg19 : memref<80x128xf32, #tpu.memory_space<vmem>>) dst(%dma_wait3A_672 : memref<10000x128xf32, #tpu.memory_space<vmem_shared>>)
      %add3A_673 = arith.constant 2 : i32
      %add3A_674 = arith.addi %add3A_667, %add3A_673 : i32
      %mul3A_675 = arith.constant 80 : i32
      %mul3A_676 = arith.muli %add3A_674, %mul3A_675 : i32
      %add3A_677 = arith.addi %mul3A_2, %mul3A_676 : i32
      %multiple_of3A_678 = tpu.assume_multiple %add3A_677, 8 : i32
      %add3A_679 = arith.constant 320000 : i32
      %add3A_680 = arith.addi %add3A_679, %mul3A_2 : i32
      %mul3A_681 = arith.constant 80 : i32
      %mul3A_682 = arith.muli %add3A_674, %mul3A_681 : i32
      %add3A_683 = arith.addi %add3A_680, %mul3A_682 : i32
      %multiple_of3A_684 = tpu.assume_multiple %add3A_683, 8 : i32
      %dma_wait3A_685 = tpu.memref_slice %arg3[%multiple_of3A_678] : memref<640000xi32, #tpu.memory_space<hbm>> -> memref<80xi32, #tpu.memory_space<hbm>>
      %dma_wait3A_686 = tpu.memref_slice %arg3[%multiple_of3A_678] : memref<640000xi32, #tpu.memory_space<hbm>> -> memref<80xi32, #tpu.memory_space<hbm>>
      tpu.wait_dma2 semaphore(%arg23 : memref<!tpu.dma_semaphore, #tpu.memory_space<semaphore_mem>>) src(%dma_wait3A_686 : memref<80xi32, #tpu.memory_space<hbm>>) dst(%arg7 : memref<80xi32, #tpu.memory_space<vmem>>)
      %dma_wait3A_687 = tpu.memref_slice %arg3[%multiple_of3A_684] : memref<640000xi32, #tpu.memory_space<hbm>> -> memref<80xi32, #tpu.memory_space<hbm>>
      %dma_wait3A_688 = tpu.memref_slice %arg3[%multiple_of3A_684] : memref<640000xi32, #tpu.memory_space<hbm>> -> memref<80xi32, #tpu.memory_space<hbm>>
      tpu.wait_dma2 semaphore(%arg23 : memref<!tpu.dma_semaphore, #tpu.memory_space<semaphore_mem>>) src(%dma_wait3A_688 : memref<80xi32, #tpu.memory_space<hbm>>) dst(%arg13 : memref<80xi32, #tpu.memory_space<vmem>>)
      %add3A_689 = arith.constant 2 : i32
      %add3A_690 = arith.addi %add3A_667, %add3A_689 : i32
      %dma_start3A_691 = arith.constant 0 : i32
      %dma_start3A_692 = arith.constant 0 : i32
      %dma_start3A_693 = tpu.memref_slice %arg2[%dma_start3A_691, %dma_start3A_692] : memref<10000x128xf32, #tpu.memory_space<hbm>> -> memref<10000x128xf32, #tpu.memory_space<hbm>>
      tpu.enqueue_indirect_dma source(%dma_start3A_693 : memref<10000x128xf32, #tpu.memory_space<hbm>>) target(%arg19 : memref<80x128xf32, #tpu.memory_space<vmem>>) offsets(%arg7 : memref<80xi32, #tpu.memory_space<vmem>>) semaphore(%arg29 : memref<!tpu.dma_semaphore, #tpu.memory_space<semaphore_mem>>)
      %add3A_694 = arith.constant 4 : i32
      %add3A_695 = arith.addi %add3A_667, %add3A_694 : i32
      %mul3A_696 = arith.constant 80 : i32
      %mul3A_697 = arith.muli %add3A_695, %mul3A_696 : i32
      %add3A_698 = arith.addi %mul3A_2, %mul3A_697 : i32
      %multiple_of3A_699 = tpu.assume_multiple %add3A_698, 8 : i32
      %add3A_700 = arith.constant 320000 : i32
      %add3A_701 = arith.addi %add3A_700, %mul3A_2 : i32
      %mul3A_702 = arith.constant 80 : i32
      %mul3A_703 = arith.muli %add3A_695, %mul3A_702 : i32
      %add3A_704 = arith.addi %add3A_701, %mul3A_703 : i32
      %multiple_of3A_705 = tpu.assume_multiple %add3A_704, 8 : i32
      %dma_start3A_706 = tpu.memref_slice %arg3[%multiple_of3A_699] : memref<640000xi32, #tpu.memory_space<hbm>> -> memref<80xi32, #tpu.memory_space<hbm>>
      %dma_start3A_707 = tpu.memref_slice %arg3[%multiple_of3A_699] : memref<640000xi32, #tpu.memory_space<hbm>> -> memref<80xi32, #tpu.memory_space<hbm>>
      tpu.enqueue_dma source(%dma_start3A_707 : memref<80xi32, #tpu.memory_space<hbm>>) target(%arg9 : memref<80xi32, #tpu.memory_space<vmem>>) target_semaphore(%arg25 : memref<!tpu.dma_semaphore, #tpu.memory_space<semaphore_mem>>)
      %dma_start3A_708 = tpu.memref_slice %arg3[%multiple_of3A_705] : memref<640000xi32, #tpu.memory_space<hbm>> -> memref<80xi32, #tpu.memory_space<hbm>>
      %dma_start3A_709 = tpu.memref_slice %arg3[%multiple_of3A_705] : memref<640000xi32, #tpu.memory_space<hbm>> -> memref<80xi32, #tpu.memory_space<hbm>>
      tpu.enqueue_dma source(%dma_start3A_709 : memref<80xi32, #tpu.memory_space<hbm>>) target(%arg15 : memref<80xi32, #tpu.memory_space<vmem>>) target_semaphore(%arg25 : memref<!tpu.dma_semaphore, #tpu.memory_space<semaphore_mem>>)
      %dma_wait3A_710 = arith.constant 0 : i32
      %dma_wait3A_711 = arith.constant 0 : i32
      %dma_wait3A_712 = tpu.memref_slice %arg2[%dma_wait3A_710, %dma_wait3A_711] : memref<10000x128xf32, #tpu.memory_space<hbm>> -> memref<10000x128xf32, #tpu.memory_space<hbm>>
      tpu.wait_indirect_dma semaphore(%arg30 : memref<!tpu.dma_semaphore, #tpu.memory_space<semaphore_mem>>) src(%dma_wait3A_712 : memref<10000x128xf32, #tpu.memory_space<hbm>>) dst(%arg20 : memref<80x128xf32, #tpu.memory_space<vmem>>)
      %dma_start3A_713 = arith.constant 0 : i32
      %dma_start3A_714 = arith.constant 0 : i32
      %dma_start3A_715 = tpu.memref_slice %arg21[%dma_start3A_713, %dma_start3A_714] : memref<10000x128xf32, #tpu.memory_space<vmem_shared>> -> memref<10000x128xf32, #tpu.memory_space<vmem_shared>>
      tpu.enqueue_indirect_dma source(%arg20 : memref<80x128xf32, #tpu.memory_space<vmem>>) target(%dma_start3A_715 : memref<10000x128xf32, #tpu.memory_space<vmem_shared>>) offsets(%arg17 : memref<80xi32, #tpu.memory_space<vmem>>) semaphore(%arg33 : memref<!tpu.dma_semaphore, #tpu.memory_space<semaphore_mem>>) {add = true}
    }
    %scan3A_300 = arith.constant 19 : i32
    %dma_wait3A_301 = arith.constant 0 : i32
    %dma_wait3A_302 = arith.constant 0 : i32
    %dma_wait3A_303 = tpu.memref_slice %arg21[%dma_wait3A_301, %dma_wait3A_302] : memref<10000x128xf32, #tpu.memory_space<vmem_shared>> -> memref<10000x128xf32, #tpu.memory_space<vmem_shared>>
    tpu.wait_indirect_dma semaphore(%arg33 : memref<!tpu.dma_semaphore, #tpu.memory_space<semaphore_mem>>) src(%arg20 : memref<80x128xf32, #tpu.memory_space<vmem>>) dst(%dma_wait3A_303 : memref<10000x128xf32, #tpu.memory_space<vmem_shared>>)
    %add3A_304 = arith.constant 9760 : i32
    %add3A_305 = arith.addi %mul3A_2, %add3A_304 : i32
    %multiple_of3A_306 = tpu.assume_multiple %add3A_305, 8 : i32
    %add3A_307 = arith.constant 320000 : i32
    %add3A_308 = arith.addi %add3A_307, %mul3A_2 : i32
    %add3A_309 = arith.constant 9760 : i32
    %add3A_310 = arith.addi %add3A_308, %add3A_309 : i32
    %multiple_of3A_311 = tpu.assume_multiple %add3A_310, 8 : i32
    %dma_wait3A_312 = tpu.memref_slice %arg3[%multiple_of3A_306] : memref<640000xi32, #tpu.memory_space<hbm>> -> memref<80xi32, #tpu.memory_space<hbm>>
    %dma_wait3A_313 = tpu.memref_slice %arg3[%multiple_of3A_306] : memref<640000xi32, #tpu.memory_space<hbm>> -> memref<80xi32, #tpu.memory_space<hbm>>
    tpu.wait_dma2 semaphore(%arg24 : memref<!tpu.dma_semaphore, #tpu.memory_space<semaphore_mem>>) src(%dma_wait3A_313 : memref<80xi32, #tpu.memory_space<hbm>>) dst(%arg8 : memref<80xi32, #tpu.memory_space<vmem>>)
    %dma_wait3A_314 = tpu.memref_slice %arg3[%multiple_of3A_311] : memref<640000xi32, #tpu.memory_space<hbm>> -> memref<80xi32, #tpu.memory_space<hbm>>
    %dma_wait3A_315 = tpu.memref_slice %arg3[%multiple_of3A_311] : memref<640000xi32, #tpu.memory_space<hbm>> -> memref<80xi32, #tpu.memory_space<hbm>>
    tpu.wait_dma2 semaphore(%arg24 : memref<!tpu.dma_semaphore, #tpu.memory_space<semaphore_mem>>) src(%dma_wait3A_315 : memref<80xi32, #tpu.memory_space<hbm>>) dst(%arg14 : memref<80xi32, #tpu.memory_space<vmem>>)
    %dma_start3A_316 = arith.constant 0 : i32
    %dma_start3A_317 = arith.constant 0 : i32
    %dma_start3A_318 = tpu.memref_slice %arg2[%dma_start3A_316, %dma_start3A_317] : memref<10000x128xf32, #tpu.memory_space<hbm>> -> memref<10000x128xf32, #tpu.memory_space<hbm>>
    tpu.enqueue_indirect_dma source(%dma_start3A_318 : memref<10000x128xf32, #tpu.memory_space<hbm>>) target(%arg20 : memref<80x128xf32, #tpu.memory_space<vmem>>) offsets(%arg8 : memref<80xi32, #tpu.memory_space<vmem>>) semaphore(%arg30 : memref<!tpu.dma_semaphore, #tpu.memory_space<semaphore_mem>>)
    %add3A_319 = arith.constant 9920 : i32
    %add3A_320 = arith.addi %mul3A_2, %add3A_319 : i32
    %multiple_of3A_321 = tpu.assume_multiple %add3A_320, 8 : i32
    %add3A_322 = arith.constant 320000 : i32
    %add3A_323 = arith.addi %add3A_322, %mul3A_2 : i32
    %add3A_324 = arith.constant 9920 : i32
    %add3A_325 = arith.addi %add3A_323, %add3A_324 : i32
    %multiple_of3A_326 = tpu.assume_multiple %add3A_325, 8 : i32
    %dma_start3A_327 = tpu.memref_slice %arg3[%multiple_of3A_321] : memref<640000xi32, #tpu.memory_space<hbm>> -> memref<80xi32, #tpu.memory_space<hbm>>
    %dma_start3A_328 = tpu.memref_slice %arg3[%multiple_of3A_321] : memref<640000xi32, #tpu.memory_space<hbm>> -> memref<80xi32, #tpu.memory_space<hbm>>
    tpu.enqueue_dma source(%dma_start3A_328 : memref<80xi32, #tpu.memory_space<hbm>>) target(%arg10 : memref<80xi32, #tpu.memory_space<vmem>>) target_semaphore(%arg26 : memref<!tpu.dma_semaphore, #tpu.memory_space<semaphore_mem>>)
    %dma_start3A_329 = tpu.memref_slice %arg3[%multiple_of3A_326] : memref<640000xi32, #tpu.memory_space<hbm>> -> memref<80xi32, #tpu.memory_space<hbm>>
    %dma_start3A_330 = tpu.memref_slice %arg3[%multiple_of3A_326] : memref<640000xi32, #tpu.memory_space<hbm>> -> memref<80xi32, #tpu.memory_space<hbm>>
    tpu.enqueue_dma source(%dma_start3A_330 : memref<80xi32, #tpu.memory_space<hbm>>) target(%arg16 : memref<80xi32, #tpu.memory_space<vmem>>) target_semaphore(%arg26 : memref<!tpu.dma_semaphore, #tpu.memory_space<semaphore_mem>>)
    %dma_wait3A_331 = arith.constant 0 : i32
    %dma_wait3A_332 = arith.constant 0 : i32
    %dma_wait3A_333 = tpu.memref_slice %arg2[%dma_wait3A_331, %dma_wait3A_332] : memref<10000x128xf32, #tpu.memory_space<hbm>> -> memref<10000x128xf32, #tpu.memory_space<hbm>>
    tpu.wait_indirect_dma semaphore(%arg28 : memref<!tpu.dma_semaphore, #tpu.memory_space<semaphore_mem>>) src(%dma_wait3A_333 : memref<10000x128xf32, #tpu.memory_space<hbm>>) dst(%arg18 : memref<80x128xf32, #tpu.memory_space<vmem>>)
    %dma_start3A_334 = arith.constant 0 : i32
    %dma_start3A_335 = arith.constant 0 : i32
    %dma_start3A_336 = tpu.memref_slice %arg21[%dma_start3A_334, %dma_start3A_335] : memref<10000x128xf32, #tpu.memory_space<vmem_shared>> -> memref<10000x128xf32, #tpu.memory_space<vmem_shared>>
    tpu.enqueue_indirect_dma source(%arg18 : memref<80x128xf32, #tpu.memory_space<vmem>>) target(%dma_start3A_336 : memref<10000x128xf32, #tpu.memory_space<vmem_shared>>) offsets(%arg12 : memref<80xi32, #tpu.memory_space<vmem>>) semaphore(%arg31 : memref<!tpu.dma_semaphore, #tpu.memory_space<semaphore_mem>>) {add = true}
    %dma_wait3A_337 = arith.constant 0 : i32
    %dma_wait3A_338 = arith.constant 0 : i32
    %dma_wait3A_339 = tpu.memref_slice %arg21[%dma_wait3A_337, %dma_wait3A_338] : memref<10000x128xf32, #tpu.memory_space<vmem_shared>> -> memref<10000x128xf32, #tpu.memory_space<vmem_shared>>
    tpu.wait_indirect_dma semaphore(%arg31 : memref<!tpu.dma_semaphore, #tpu.memory_space<semaphore_mem>>) src(%arg18 : memref<80x128xf32, #tpu.memory_space<vmem>>) dst(%dma_wait3A_339 : memref<10000x128xf32, #tpu.memory_space<vmem_shared>>)
    %add3A_340 = arith.constant 9840 : i32
    %add3A_341 = arith.addi %mul3A_2, %add3A_340 : i32
    %multiple_of3A_342 = tpu.assume_multiple %add3A_341, 8 : i32
    %add3A_343 = arith.constant 320000 : i32
    %add3A_344 = arith.addi %add3A_343, %mul3A_2 : i32
    %add3A_345 = arith.constant 9840 : i32
    %add3A_346 = arith.addi %add3A_344, %add3A_345 : i32
    %multiple_of3A_347 = tpu.assume_multiple %add3A_346, 8 : i32
    %dma_wait3A_348 = tpu.memref_slice %arg3[%multiple_of3A_342] : memref<640000xi32, #tpu.memory_space<hbm>> -> memref<80xi32, #tpu.memory_space<hbm>>
    %dma_wait3A_349 = tpu.memref_slice %arg3[%multiple_of3A_342] : memref<640000xi32, #tpu.memory_space<hbm>> -> memref<80xi32, #tpu.memory_space<hbm>>
    tpu.wait_dma2 semaphore(%arg25 : memref<!tpu.dma_semaphore, #tpu.memory_space<semaphore_mem>>) src(%dma_wait3A_349 : memref<80xi32, #tpu.memory_space<hbm>>) dst(%arg9 : memref<80xi32, #tpu.memory_space<vmem>>)
    %dma_wait3A_350 = tpu.memref_slice %arg3[%multiple_of3A_347] : memref<640000xi32, #tpu.memory_space<hbm>> -> memref<80xi32, #tpu.memory_space<hbm>>
    %dma_wait3A_351 = tpu.memref_slice %arg3[%multiple_of3A_347] : memref<640000xi32, #tpu.memory_space<hbm>> -> memref<80xi32, #tpu.memory_space<hbm>>
    tpu.wait_dma2 semaphore(%arg25 : memref<!tpu.dma_semaphore, #tpu.memory_space<semaphore_mem>>) src(%dma_wait3A_351 : memref<80xi32, #tpu.memory_space<hbm>>) dst(%arg15 : memref<80xi32, #tpu.memory_space<vmem>>)
    %dma_start3A_352 = arith.constant 0 : i32
    %dma_start3A_353 = arith.constant 0 : i32
    %dma_start3A_354 = tpu.memref_slice %arg2[%dma_start3A_352, %dma_start3A_353] : memref<10000x128xf32, #tpu.memory_space<hbm>> -> memref<10000x128xf32, #tpu.memory_space<hbm>>
    tpu.enqueue_indirect_dma source(%dma_start3A_354 : memref<10000x128xf32, #tpu.memory_space<hbm>>) target(%arg18 : memref<80x128xf32, #tpu.memory_space<vmem>>) offsets(%arg9 : memref<80xi32, #tpu.memory_space<vmem>>) semaphore(%arg28 : memref<!tpu.dma_semaphore, #tpu.memory_space<semaphore_mem>>)
    %dma_wait3A_355 = arith.constant 0 : i32
    %dma_wait3A_356 = arith.constant 0 : i32
    %dma_wait3A_357 = tpu.memref_slice %arg2[%dma_wait3A_355, %dma_wait3A_356] : memref<10000x128xf32, #tpu.memory_space<hbm>> -> memref<10000x128xf32, #tpu.memory_space<hbm>>
    tpu.wait_indirect_dma semaphore(%arg29 : memref<!tpu.dma_semaphore, #tpu.memory_space<semaphore_mem>>) src(%dma_wait3A_357 : memref<10000x128xf32, #tpu.memory_space<hbm>>) dst(%arg19 : memref<80x128xf32, #tpu.memory_space<vmem>>)
    %dma_start3A_358 = arith.constant 0 : i32
    %dma_start3A_359 = arith.constant 0 : i32
    %dma_start3A_360 = tpu.memref_slice %arg21[%dma_start3A_358, %dma_start3A_359] : memref<10000x128xf32, #tpu.memory_space<vmem_shared>> -> memref<10000x128xf32, #tpu.memory_space<vmem_shared>>
    tpu.enqueue_indirect_dma source(%arg19 : memref<80x128xf32, #tpu.memory_space<vmem>>) target(%dma_start3A_360 : memref<10000x128xf32, #tpu.memory_space<vmem_shared>>) offsets(%arg13 : memref<80xi32, #tpu.memory_space<vmem>>) semaphore(%arg32 : memref<!tpu.dma_semaphore, #tpu.memory_space<semaphore_mem>>) {add = true}
    %dma_wait3A_361 = arith.constant 0 : i32
    %dma_wait3A_362 = arith.constant 0 : i32
    %dma_wait3A_363 = tpu.memref_slice %arg21[%dma_wait3A_361, %dma_wait3A_362] : memref<10000x128xf32, #tpu.memory_space<vmem_shared>> -> memref<10000x128xf32, #tpu.memory_space<vmem_shared>>
    tpu.wait_indirect_dma semaphore(%arg32 : memref<!tpu.dma_semaphore, #tpu.memory_space<semaphore_mem>>) src(%arg19 : memref<80x128xf32, #tpu.memory_space<vmem>>) dst(%dma_wait3A_363 : memref<10000x128xf32, #tpu.memory_space<vmem_shared>>)
    %add3A_364 = arith.constant 9920 : i32
    %add3A_365 = arith.addi %mul3A_2, %add3A_364 : i32
    %multiple_of3A_366 = tpu.assume_multiple %add3A_365, 8 : i32
    %add3A_367 = arith.constant 320000 : i32
    %add3A_368 = arith.addi %add3A_367, %mul3A_2 : i32
    %add3A_369 = arith.constant 9920 : i32
    %add3A_370 = arith.addi %add3A_368, %add3A_369 : i32
    %multiple_of3A_371 = tpu.assume_multiple %add3A_370, 8 : i32
    %dma_wait3A_372 = tpu.memref_slice %arg3[%multiple_of3A_366] : memref<640000xi32, #tpu.memory_space<hbm>> -> memref<80xi32, #tpu.memory_space<hbm>>
    %dma_wait3A_373 = tpu.memref_slice %arg3[%multiple_of3A_366] : memref<640000xi32, #tpu.memory_space<hbm>> -> memref<80xi32, #tpu.memory_space<hbm>>
    tpu.wait_dma2 semaphore(%arg26 : memref<!tpu.dma_semaphore, #tpu.memory_space<semaphore_mem>>) src(%dma_wait3A_373 : memref<80xi32, #tpu.memory_space<hbm>>) dst(%arg10 : memref<80xi32, #tpu.memory_space<vmem>>)
    %dma_wait3A_374 = tpu.memref_slice %arg3[%multiple_of3A_371] : memref<640000xi32, #tpu.memory_space<hbm>> -> memref<80xi32, #tpu.memory_space<hbm>>
    %dma_wait3A_375 = tpu.memref_slice %arg3[%multiple_of3A_371] : memref<640000xi32, #tpu.memory_space<hbm>> -> memref<80xi32, #tpu.memory_space<hbm>>
    tpu.wait_dma2 semaphore(%arg26 : memref<!tpu.dma_semaphore, #tpu.memory_space<semaphore_mem>>) src(%dma_wait3A_375 : memref<80xi32, #tpu.memory_space<hbm>>) dst(%arg16 : memref<80xi32, #tpu.memory_space<vmem>>)
    %dma_start3A_376 = arith.constant 0 : i32
    %dma_start3A_377 = arith.constant 0 : i32
    %dma_start3A_378 = tpu.memref_slice %arg2[%dma_start3A_376, %dma_start3A_377] : memref<10000x128xf32, #tpu.memory_space<hbm>> -> memref<10000x128xf32, #tpu.memory_space<hbm>>
    tpu.enqueue_indirect_dma source(%dma_start3A_378 : memref<10000x128xf32, #tpu.memory_space<hbm>>) target(%arg19 : memref<80x128xf32, #tpu.memory_space<vmem>>) offsets(%arg10 : memref<80xi32, #tpu.memory_space<vmem>>) semaphore(%arg29 : memref<!tpu.dma_semaphore, #tpu.memory_space<semaphore_mem>>)
    %dma_wait3A_379 = arith.constant 0 : i32
    %dma_wait3A_380 = arith.constant 0 : i32
    %dma_wait3A_381 = tpu.memref_slice %arg2[%dma_wait3A_379, %dma_wait3A_380] : memref<10000x128xf32, #tpu.memory_space<hbm>> -> memref<10000x128xf32, #tpu.memory_space<hbm>>
    tpu.wait_indirect_dma semaphore(%arg30 : memref<!tpu.dma_semaphore, #tpu.memory_space<semaphore_mem>>) src(%dma_wait3A_381 : memref<10000x128xf32, #tpu.memory_space<hbm>>) dst(%arg20 : memref<80x128xf32, #tpu.memory_space<vmem>>)
    %dma_start3A_382 = arith.constant 0 : i32
    %dma_start3A_383 = arith.constant 0 : i32
    %dma_start3A_384 = tpu.memref_slice %arg21[%dma_start3A_382, %dma_start3A_383] : memref<10000x128xf32, #tpu.memory_space<vmem_shared>> -> memref<10000x128xf32, #tpu.memory_space<vmem_shared>>
    tpu.enqueue_indirect_dma source(%arg20 : memref<80x128xf32, #tpu.memory_space<vmem>>) target(%dma_start3A_384 : memref<10000x128xf32, #tpu.memory_space<vmem_shared>>) offsets(%arg14 : memref<80xi32, #tpu.memory_space<vmem>>) semaphore(%arg33 : memref<!tpu.dma_semaphore, #tpu.memory_space<semaphore_mem>>) {add = true}
    %dma_wait3A_385 = arith.constant 0 : i32
    %dma_wait3A_386 = arith.constant 0 : i32
    %dma_wait3A_387 = tpu.memref_slice %arg21[%dma_wait3A_385, %dma_wait3A_386] : memref<10000x128xf32, #tpu.memory_space<vmem_shared>> -> memref<10000x128xf32, #tpu.memory_space<vmem_shared>>
    tpu.wait_indirect_dma semaphore(%arg33 : memref<!tpu.dma_semaphore, #tpu.memory_space<semaphore_mem>>) src(%arg20 : memref<80x128xf32, #tpu.memory_space<vmem>>) dst(%dma_wait3A_387 : memref<10000x128xf32, #tpu.memory_space<vmem_shared>>)
    %dma_wait3A_388 = arith.constant 0 : i32
    %dma_wait3A_389 = arith.constant 0 : i32
    %dma_wait3A_390 = tpu.memref_slice %arg2[%dma_wait3A_388, %dma_wait3A_389] : memref<10000x128xf32, #tpu.memory_space<hbm>> -> memref<10000x128xf32, #tpu.memory_space<hbm>>
    tpu.wait_indirect_dma semaphore(%arg28 : memref<!tpu.dma_semaphore, #tpu.memory_space<semaphore_mem>>) src(%dma_wait3A_390 : memref<10000x128xf32, #tpu.memory_space<hbm>>) dst(%arg18 : memref<80x128xf32, #tpu.memory_space<vmem>>)
    %dma_start3A_391 = arith.constant 0 : i32
    %dma_start3A_392 = arith.constant 0 : i32
    %dma_start3A_393 = tpu.memref_slice %arg21[%dma_start3A_391, %dma_start3A_392] : memref<10000x128xf32, #tpu.memory_space<vmem_shared>> -> memref<10000x128xf32, #tpu.memory_space<vmem_shared>>
    tpu.enqueue_indirect_dma source(%arg18 : memref<80x128xf32, #tpu.memory_space<vmem>>) target(%dma_start3A_393 : memref<10000x128xf32, #tpu.memory_space<vmem_shared>>) offsets(%arg15 : memref<80xi32, #tpu.memory_space<vmem>>) semaphore(%arg31 : memref<!tpu.dma_semaphore, #tpu.memory_space<semaphore_mem>>) {add = true}
    %dma_wait3A_394 = arith.constant 0 : i32
    %dma_wait3A_395 = arith.constant 0 : i32
    %dma_wait3A_396 = tpu.memref_slice %arg21[%dma_wait3A_394, %dma_wait3A_395] : memref<10000x128xf32, #tpu.memory_space<vmem_shared>> -> memref<10000x128xf32, #tpu.memory_space<vmem_shared>>
    tpu.wait_indirect_dma semaphore(%arg31 : memref<!tpu.dma_semaphore, #tpu.memory_space<semaphore_mem>>) src(%arg18 : memref<80x128xf32, #tpu.memory_space<vmem>>) dst(%dma_wait3A_396 : memref<10000x128xf32, #tpu.memory_space<vmem_shared>>)
    %dma_wait3A_397 = arith.constant 0 : i32
    %dma_wait3A_398 = arith.constant 0 : i32
    %dma_wait3A_399 = tpu.memref_slice %arg2[%dma_wait3A_397, %dma_wait3A_398] : memref<10000x128xf32, #tpu.memory_space<hbm>> -> memref<10000x128xf32, #tpu.memory_space<hbm>>
    tpu.wait_indirect_dma semaphore(%arg29 : memref<!tpu.dma_semaphore, #tpu.memory_space<semaphore_mem>>) src(%dma_wait3A_399 : memref<10000x128xf32, #tpu.memory_space<hbm>>) dst(%arg19 : memref<80x128xf32, #tpu.memory_space<vmem>>)
    %dma_start3A_400 = arith.constant 0 : i32
    %dma_start3A_401 = arith.constant 0 : i32
    %dma_start3A_402 = tpu.memref_slice %arg21[%dma_start3A_400, %dma_start3A_401] : memref<10000x128xf32, #tpu.memory_space<vmem_shared>> -> memref<10000x128xf32, #tpu.memory_space<vmem_shared>>
    tpu.enqueue_indirect_dma source(%arg19 : memref<80x128xf32, #tpu.memory_space<vmem>>) target(%dma_start3A_402 : memref<10000x128xf32, #tpu.memory_space<vmem_shared>>) offsets(%arg16 : memref<80xi32, #tpu.memory_space<vmem>>) semaphore(%arg32 : memref<!tpu.dma_semaphore, #tpu.memory_space<semaphore_mem>>) {add = true}
    %dma_wait3A_403 = arith.constant 0 : i32
    %dma_wait3A_404 = arith.constant 0 : i32
    %dma_wait3A_405 = tpu.memref_slice %arg21[%dma_wait3A_403, %dma_wait3A_404] : memref<10000x128xf32, #tpu.memory_space<vmem_shared>> -> memref<10000x128xf32, #tpu.memory_space<vmem_shared>>
    tpu.wait_indirect_dma semaphore(%arg32 : memref<!tpu.dma_semaphore, #tpu.memory_space<semaphore_mem>>) src(%arg19 : memref<80x128xf32, #tpu.memory_space<vmem>>) dst(%dma_wait3A_405 : memref<10000x128xf32, #tpu.memory_space<vmem_shared>>)
    %barrier3A_406 = arith.constant 0 : index
    tpu.barrier barrier_id(%barrier3A_406)
    "tpu.region"() ({
      %run_scoped3A = tpu.sem_alloc : memref<!tpu.dma_semaphore, #tpu.memory_space<semaphore_mem>>
      %dma_start3A_412 = arith.constant 0 : i32
      %dma_start3A_413 = arith.constant 0 : i32
      %dma_start3A_414 = tpu.memref_slice %arg5[%arg0, %dma_start3A_412, %dma_start3A_413] : memref<2x10000x128xf32, #tpu.memory_space<hbm>> -> memref<1x10000x128xf32, #tpu.memory_space<hbm>>
      %dma_start3A_415 = tpu.memref_squeeze %dma_start3A_414 : memref<1x10000x128xf32, #tpu.memory_space<hbm>> -> memref<10000x128xf32, #tpu.memory_space<hbm>>
      %dma_start3A_416 = arith.constant 0 : i32
      %dma_start3A_417 = tpu.memref_slice %dma_start3A_415[%multiple_of3A_80, %dma_start3A_416] : memref<10000x128xf32, #tpu.memory_space<hbm>> -> memref<624x128xf32, #tpu.memory_space<hbm>>
      %dma_start3A_418 = arith.constant 0 : i32
      %dma_start3A_419 = tpu.memref_slice %arg21[%multiple_of3A_80, %dma_start3A_418] : memref<10000x128xf32, #tpu.memory_space<vmem_shared>> -> memref<624x128xf32, #tpu.memory_space<vmem_shared>>
      tpu.enqueue_dma source(%dma_start3A_419 : memref<624x128xf32, #tpu.memory_space<vmem_shared>>) target(%dma_start3A_417 : memref<624x128xf32, #tpu.memory_space<hbm>>) target_semaphore(%run_scoped3A : memref<!tpu.dma_semaphore, #tpu.memory_space<semaphore_mem>>)
      %dma_wait3A_420 = arith.constant 0 : i32
      %dma_wait3A_421 = arith.constant 0 : i32
      %dma_wait3A_422 = tpu.memref_slice %arg5[%arg0, %dma_wait3A_420, %dma_wait3A_421] : memref<2x10000x128xf32, #tpu.memory_space<hbm>> -> memref<1x10000x128xf32, #tpu.memory_space<hbm>>
      %dma_wait3A_423 = tpu.memref_squeeze %dma_wait3A_422 : memref<1x10000x128xf32, #tpu.memory_space<hbm>> -> memref<10000x128xf32, #tpu.memory_space<hbm>>
      %dma_wait3A_424 = arith.constant 0 : i32
      %dma_wait3A_425 = tpu.memref_slice %dma_wait3A_423[%multiple_of3A_80, %dma_wait3A_424] : memref<10000x128xf32, #tpu.memory_space<hbm>> -> memref<624x128xf32, #tpu.memory_space<hbm>>
      %dma_wait3A_426 = arith.constant 0 : i32
      %dma_wait3A_427 = tpu.memref_slice %arg21[%multiple_of3A_80, %dma_wait3A_426] : memref<10000x128xf32, #tpu.memory_space<vmem_shared>> -> memref<624x128xf32, #tpu.memory_space<vmem_shared>>
      tpu.wait_dma2 semaphore(%run_scoped3A : memref<!tpu.dma_semaphore, #tpu.memory_space<semaphore_mem>>) src(%dma_wait3A_427 : memref<624x128xf32, #tpu.memory_space<vmem_shared>>) dst(%dma_wait3A_425 : memref<624x128xf32, #tpu.memory_space<hbm>>)
      tpu.yield
    }) : () -> ()
    %eq3A_407 = arith.constant 15 : i32
    %eq3A_408 = arith.cmpi eq, %arg1, %eq3A_407 : i32
    %convert_element_type3A_409 = arith.extui %eq3A_408 : i1 to i32
    %cond3A_410 = arith.constant 0 : i32
    %cond3A_411 = arith.cmpi ne, %convert_element_type3A_409, %cond3A_410 : i32
    scf.if %cond3A_411 {
      "tpu.region"() ({
        %run_scoped3A = tpu.sem_alloc : memref<!tpu.dma_semaphore, #tpu.memory_space<semaphore_mem>>
        %dma_start3A_412 = arith.constant 0 : i32
        %dma_start3A_413 = arith.constant 0 : i32
        %dma_start3A_414 = tpu.memref_slice %arg5[%arg0, %dma_start3A_412, %dma_start3A_413] : memref<2x10000x128xf32, #tpu.memory_space<hbm>> -> memref<1x10000x128xf32, #tpu.memory_space<hbm>>
        %dma_start3A_415 = tpu.memref_squeeze %dma_start3A_414 : memref<1x10000x128xf32, #tpu.memory_space<hbm>> -> memref<10000x128xf32, #tpu.memory_space<hbm>>
        %dma_start3A_416 = arith.constant 9984 : i32
        %dma_start3A_417 = arith.constant 0 : i32
        %dma_start3A_418 = tpu.memref_slice %dma_start3A_415[%dma_start3A_416, %dma_start3A_417] : memref<10000x128xf32, #tpu.memory_space<hbm>> -> memref<16x128xf32, #tpu.memory_space<hbm>>
        %dma_start3A_419 = arith.constant 9984 : i32
        %dma_start3A_420 = arith.constant 0 : i32
        %dma_start3A_421 = tpu.memref_slice %arg21[%dma_start3A_419, %dma_start3A_420] : memref<10000x128xf32, #tpu.memory_space<vmem_shared>> -> memref<16x128xf32, #tpu.memory_space<vmem_shared>>
        tpu.enqueue_dma source(%dma_start3A_421 : memref<16x128xf32, #tpu.memory_space<vmem_shared>>) target(%dma_start3A_418 : memref<16x128xf32, #tpu.memory_space<hbm>>) target_semaphore(%run_scoped3A : memref<!tpu.dma_semaphore, #tpu.memory_space<semaphore_mem>>)
        %dma_wait3A_422 = arith.constant 0 : i32
        %dma_wait3A_423 = arith.constant 0 : i32
        %dma_wait3A_424 = tpu.memref_slice %arg5[%arg0, %dma_wait3A_422, %dma_wait3A_423] : memref<2x10000x128xf32, #tpu.memory_space<hbm>> -> memref<1x10000x128xf32, #tpu.memory_space<hbm>>
        %dma_wait3A_425 = tpu.memref_squeeze %dma_wait3A_424 : memref<1x10000x128xf32, #tpu.memory_space<hbm>> -> memref<10000x128xf32, #tpu.memory_space<hbm>>
        %dma_wait3A_426 = arith.constant 9984 : i32
        %dma_wait3A_427 = arith.constant 0 : i32
        %dma_wait3A_428 = tpu.memref_slice %dma_wait3A_425[%dma_wait3A_426, %dma_wait3A_427] : memref<10000x128xf32, #tpu.memory_space<hbm>> -> memref<16x128xf32, #tpu.memory_space<hbm>>
        %dma_wait3A_429 = arith.constant 9984 : i32
        %dma_wait3A_430 = arith.constant 0 : i32
        %dma_wait3A_431 = tpu.memref_slice %arg21[%dma_wait3A_429, %dma_wait3A_430] : memref<10000x128xf32, #tpu.memory_space<vmem_shared>> -> memref<16x128xf32, #tpu.memory_space<vmem_shared>>
        tpu.wait_dma2 semaphore(%run_scoped3A : memref<!tpu.dma_semaphore, #tpu.memory_space<semaphore_mem>>) src(%dma_wait3A_431 : memref<16x128xf32, #tpu.memory_space<vmem_shared>>) dst(%dma_wait3A_428 : memref<16x128xf32, #tpu.memory_space<hbm>>)
        tpu.yield
      }) : () -> ()
    } else {
    }
    return
  }
}

module attributes {stable_mosaic.version = 14 : i64} {
  func.func @_support_body(%arg0: i32, %arg1: memref<2000x128xf32, #tpu.memory_space<vmem>>, %arg2: memref<128x128xf32, #tpu.memory_space<vmem>>, %arg3: memref<2000x128xf32, #tpu.memory_space<vmem>>, %arg4: memref<624x128xf32, #tpu.memory_space<vmem>>) attributes {dimension_semantics = [#tpu.dimension_semantics<arbitrary>], iteration_bounds = array<i64: 5>, scalar_prefetch = 0 : i64, scratch_operands = 0 : i64, tpu.core_type = #tpu.core_type<tc>, window_params = [{transform_indices = @transform_0, window_bounds = array<i64: 2000, 128>}, {pipeline_mode = #tpu.pipeline_mode<synchronous>, transform_indices = @transform_1, window_bounds = array<i64: 128, 128>}, {transform_indices = @transform_2, window_bounds = array<i64: 2000, 128>}, {pipeline_mode = #tpu.pipeline_mode<synchronous>, transform_indices = @transform_3, window_bounds = array<i64: 624, 128>}]} {
    %get3A = arith.constant 0 : index
    %get3A_0 = arith.constant 0 : index
    %get3A_1 = vector.load %arg1[%get3A, %get3A_0] : memref<2000x128xf32, #tpu.memory_space<vmem>>, vector<2000x128xf32>
    %get3A_2 = arith.constant 0 : index
    %get3A_3 = arith.constant 0 : index
    %get3A_4 = vector.load %arg2[%get3A_2, %get3A_3] : memref<128x128xf32, #tpu.memory_space<vmem>>, vector<128x128xf32>
    %dot_general3A = arith.constant dense<0.000000e+00> : vector<2000x128xf32>
    %dot_general3A_5 = tpu.matmul %get3A_1, %get3A_4, %dot_general3A {dimension_numbers = #tpu.dot_dimension_numbers<[1], [0], [0], [1], [0, 0, 1, 1], [], []>, transpose_lhs_hint = false} : vector<2000x128xf32>, vector<128x128xf32>, vector<2000x128xf32> -> vector<2000x128xf32>
    %swap3A = arith.constant 0 : index
    %swap3A_6 = arith.constant 0 : index
    %swap3A_7 = vector.load %arg3[%swap3A, %swap3A_6] : memref<2000x128xf32, #tpu.memory_space<vmem>>, vector<2000x128xf32>
    tpu.vector_store %arg3[%swap3A, %swap3A_6], %dot_general3A_5 {strides = array<i32>} : memref<2000x128xf32, #tpu.memory_space<vmem>>, vector<2000x128xf32>,
    %broadcast_in_dim3A = arith.constant 0.000000e+00 : f32
    %broadcast_in_dim3A_8 = vector.broadcast %broadcast_in_dim3A : f32 to vector<624x128xf32>
    %swap3A_9 = arith.constant 0 : index
    %swap3A_10 = arith.constant 0 : index
    %swap3A_11 = vector.load %arg4[%swap3A_9, %swap3A_10] : memref<624x128xf32, #tpu.memory_space<vmem>>, vector<624x128xf32>
    tpu.vector_store %arg4[%swap3A_9, %swap3A_10], %broadcast_in_dim3A_8 {strides = array<i32>} : memref<624x128xf32, #tpu.memory_space<vmem>>, vector<624x128xf32>,
    return
  }
  func.func @transform_0(%arg0: i32) -> (i32, i32) {
    %c0_i32 = arith.constant 0 : i32
    %c0_i32_0 = arith.constant 0 : i32
    return %arg0, %c0_i32 : i32, i32
  }
  func.func @transform_1(%arg0: i32) -> (i32, i32) {
    %c0_i32 = arith.constant 0 : i32
    %c0_i32_0 = arith.constant 0 : i32
    %c0_i32_1 = arith.constant 0 : i32
    return %c0_i32, %c0_i32_0 : i32, i32
  }
  func.func @transform_2(%arg0: i32) -> (i32, i32) {
    %c0_i32 = arith.constant 0 : i32
    %c0_i32_0 = arith.constant 0 : i32
    return %arg0, %c0_i32 : i32, i32
  }
  func.func @transform_3(%arg0: i32) -> (i32, i32) {
    %c0_i32 = arith.constant 0 : i32
    %c0_i32_0 = arith.constant 0 : i32
    %c0_i32_1 = arith.constant 0 : i32
    return %c0_i32, %c0_i32_0 : i32, i32
  }
}

module attributes {stable_mosaic.version = 14 : i64} {
  func.func @_combine_body(%arg0: i32, %arg1: memref<2000x128xf32, #tpu.memory_space<vmem>>, %arg2: memref<2000x128xf32, #tpu.memory_space<vmem>>, %arg3: memref<2000x128xf32, #tpu.memory_space<vmem>>, %arg4: memref<128x128xf32, #tpu.memory_space<vmem>>, %arg5: memref<128x128xf32, #tpu.memory_space<vmem>>, %arg6: memref<1x128xf32, #tpu.memory_space<vmem>>, %arg7: memref<1x128xf32, #tpu.memory_space<vmem>>, %arg8: memref<1x128xf32, #tpu.memory_space<vmem>>, %arg9: memref<2000x128xf32, #tpu.memory_space<vmem>>) attributes {dimension_semantics = [#tpu.dimension_semantics<arbitrary>], iteration_bounds = array<i64: 5>, scalar_prefetch = 0 : i64, scratch_operands = 0 : i64, tpu.core_type = #tpu.core_type<tc>, window_params = [{transform_indices = @transform_0, window_bounds = array<i64: 2000, 128>}, {transform_indices = @transform_1, window_bounds = array<i64: 2000, 128>}, {transform_indices = @transform_2, window_bounds = array<i64: 2000, 128>}, {pipeline_mode = #tpu.pipeline_mode<synchronous>, transform_indices = @transform_3, window_bounds = array<i64: 128, 128>}, {pipeline_mode = #tpu.pipeline_mode<synchronous>, transform_indices = @transform_4, window_bounds = array<i64: 128, 128>}, {pipeline_mode = #tpu.pipeline_mode<synchronous>, transform_indices = @transform_5, window_bounds = array<i64: 1, 128>}, {pipeline_mode = #tpu.pipeline_mode<synchronous>, transform_indices = @transform_6, window_bounds = array<i64: 1, 128>}, {pipeline_mode = #tpu.pipeline_mode<synchronous>, transform_indices = @transform_7, window_bounds = array<i64: 1, 128>}, {transform_indices = @transform_8, window_bounds = array<i64: 2000, 128>}]} {
    %get3A = arith.constant 0 : index
    %get3A_0 = arith.constant 0 : index
    %get3A_1 = vector.load %arg1[%get3A, %get3A_0] : memref<2000x128xf32, #tpu.memory_space<vmem>>, vector<2000x128xf32>
    %get3A_2 = arith.constant 0 : index
    %get3A_3 = arith.constant 0 : index
    %get3A_4 = vector.load %arg4[%get3A_2, %get3A_3] : memref<128x128xf32, #tpu.memory_space<vmem>>, vector<128x128xf32>
    %dot_general3A = arith.constant dense<0.000000e+00> : vector<2000x128xf32>
    %dot_general3A_5 = tpu.matmul %get3A_1, %get3A_4, %dot_general3A {dimension_numbers = #tpu.dot_dimension_numbers<[1], [0], [0], [1], [0, 0, 1, 1], [], []>, transpose_lhs_hint = false} : vector<2000x128xf32>, vector<128x128xf32>, vector<2000x128xf32> -> vector<2000x128xf32>
    %get3A_6 = arith.constant 0 : index
    %get3A_7 = arith.constant 0 : index
    %get3A_8 = vector.load %arg7[%get3A_6, %get3A_7] : memref<1x128xf32, #tpu.memory_space<vmem>>, vector<1x128xf32>
    %add3A = vector.broadcast %get3A_8 : vector<1x128xf32> to vector<2000x128xf32>
    %add3A_9 = arith.addf %dot_general3A_5, %add3A : vector<2000x128xf32>
    %get3A_10 = arith.constant 0 : index
    %get3A_11 = arith.constant 0 : index
    %get3A_12 = vector.load %arg5[%get3A_10, %get3A_11] : memref<128x128xf32, #tpu.memory_space<vmem>>, vector<128x128xf32>
    %dot_general3A_13 = arith.constant dense<0.000000e+00> : vector<2000x128xf32>
    %dot_general3A_14 = tpu.matmul %get3A_1, %get3A_12, %dot_general3A_13 {dimension_numbers = #tpu.dot_dimension_numbers<[1], [0], [0], [1], [0, 0, 1, 1], [], []>, transpose_lhs_hint = false} : vector<2000x128xf32>, vector<128x128xf32>, vector<2000x128xf32> -> vector<2000x128xf32>
    %get3A_15 = arith.constant 0 : index
    %get3A_16 = arith.constant 0 : index
    %get3A_17 = vector.load %arg8[%get3A_15, %get3A_16] : memref<1x128xf32, #tpu.memory_space<vmem>>, vector<1x128xf32>
    %add3A_18 = vector.broadcast %get3A_17 : vector<1x128xf32> to vector<2000x128xf32>
    %add3A_19 = arith.addf %dot_general3A_14, %add3A_18 : vector<2000x128xf32>
    %logistic3A = arith.negf %add3A_19 : vector<2000x128xf32>
    %logistic3A_20 = math.exp %logistic3A : vector<2000x128xf32>
    %logistic3A_21 = arith.constant 1.000000e+00 : f32
    %logistic3A_22 = vector.broadcast %logistic3A_21 : f32 to vector<2000x128xf32>
    %logistic3A_23 = arith.addf %logistic3A_22, %logistic3A_20 : vector<2000x128xf32>
    %logistic3A_24 = arith.divf %logistic3A_22, %logistic3A_23 : vector<2000x128xf32>
    %get3A_25 = arith.constant 0 : index
    %get3A_26 = arith.constant 0 : index
    %get3A_27 = vector.load %arg2[%get3A_25, %get3A_26] : memref<2000x128xf32, #tpu.memory_space<vmem>>, vector<2000x128xf32>
    %get3A_28 = arith.constant 0 : index
    %get3A_29 = arith.constant 0 : index
    %get3A_30 = vector.load %arg3[%get3A_28, %get3A_29] : memref<2000x128xf32, #tpu.memory_space<vmem>>, vector<2000x128xf32>
    %add3A_31 = arith.addf %get3A_27, %get3A_30 : vector<2000x128xf32>
    %get3A_32 = arith.constant 0 : index
    %get3A_33 = arith.constant 0 : index
    %get3A_34 = vector.load %arg6[%get3A_32, %get3A_33] : memref<1x128xf32, #tpu.memory_space<vmem>>, vector<1x128xf32>
    %add3A_35 = vector.broadcast %get3A_34 : vector<1x128xf32> to vector<2000x128xf32>
    %add3A_36 = arith.addf %add3A_31, %add3A_35 : vector<2000x128xf32>
    %max3A = arith.constant 0.000000e+00 : f32
    %max3A_37 = vector.broadcast %max3A : f32 to vector<2000x128xf32>
    %max3A_38 = arith.maximumf %add3A_36, %max3A_37 : vector<2000x128xf32>
    %sub3A = arith.subf %max3A_38, %add3A_9 : vector<2000x128xf32>
    %mul3A = arith.mulf %logistic3A_24, %sub3A : vector<2000x128xf32>
    %add3A_39 = arith.addf %add3A_9, %mul3A : vector<2000x128xf32>
    %swap3A = arith.constant 0 : index
    %swap3A_40 = arith.constant 0 : index
    %swap3A_41 = vector.load %arg9[%swap3A, %swap3A_40] : memref<2000x128xf32, #tpu.memory_space<vmem>>, vector<2000x128xf32>
    tpu.vector_store %arg9[%swap3A, %swap3A_40], %add3A_39 {strides = array<i32>} : memref<2000x128xf32, #tpu.memory_space<vmem>>, vector<2000x128xf32>,
    return
  }
  func.func @transform_0(%arg0: i32) -> (i32, i32) {
    %c0_i32 = arith.constant 0 : i32
    %c0_i32_0 = arith.constant 0 : i32
    return %arg0, %c0_i32 : i32, i32
  }
  func.func @transform_1(%arg0: i32) -> (i32, i32) {
    %c0_i32 = arith.constant 0 : i32
    %c0_i32_0 = arith.constant 0 : i32
    return %arg0, %c0_i32 : i32, i32
  }
  func.func @transform_2(%arg0: i32) -> (i32, i32) {
    %c0_i32 = arith.constant 0 : i32
    %c0_i32_0 = arith.constant 0 : i32
    return %arg0, %c0_i32 : i32, i32
  }
  func.func @transform_3(%arg0: i32) -> (i32, i32) {
    %c0_i32 = arith.constant 0 : i32
    %c0_i32_0 = arith.constant 0 : i32
    %c0_i32_1 = arith.constant 0 : i32
    return %c0_i32, %c0_i32_0 : i32, i32
  }
  func.func @transform_4(%arg0: i32) -> (i32, i32) {
    %c0_i32 = arith.constant 0 : i32
    %c0_i32_0 = arith.constant 0 : i32
    %c0_i32_1 = arith.constant 0 : i32
    return %c0_i32, %c0_i32_0 : i32, i32
  }
  func.func @transform_5(%arg0: i32) -> (i32, i32) {
    %c0_i32 = arith.constant 0 : i32
    %c0_i32_0 = arith.constant 0 : i32
    %c0_i32_1 = arith.constant 0 : i32
    return %c0_i32, %c0_i32_0 : i32, i32
  }
  func.func @transform_6(%arg0: i32) -> (i32, i32) {
    %c0_i32 = arith.constant 0 : i32
    %c0_i32_0 = arith.constant 0 : i32
    %c0_i32_1 = arith.constant 0 : i32
    return %c0_i32, %c0_i32_0 : i32, i32
  }
  func.func @transform_7(%arg0: i32) -> (i32, i32) {
    %c0_i32 = arith.constant 0 : i32
    %c0_i32_0 = arith.constant 0 : i32
    %c0_i32_1 = arith.constant 0 : i32
    return %c0_i32, %c0_i32_0 : i32, i32
  }
  func.func @transform_8(%arg0: i32) -> (i32, i32) {
    %c0_i32 = arith.constant 0 : i32
    %c0_i32_0 = arith.constant 0 : i32
    return %arg0, %c0_i32 : i32, i32
  }
}

</mosaic_0001>

<sc_bundles>
// kernel: kernel.5.cloned.1.call-start
scs
__scs_entry_jumppad:
0x0: {  	(pc) =	sbr.rel $0x88, $3  }
0x1: {  	(tag) =	ssettag $0x0;
	lr =	simm.s32 $0x1  }
0x2: {  	[smem:$0x3F99] =	sst lr;
	_ =	strace $0xD0000000  }
0x3: {  	_ = 	snop  }
0x4: {  	_ = 	snop  }
0x5: {  	_ = 	snop  }
0x6: {  	_ = 	snop  }
0x7: {  	_ = 	snop  }
__scs_overlays_trampoline_lowered:
0x8: {  	[smem:$0x3FA8] =	sst s0  }
0x9: {  	[smem:$0x3FA9] =	sst s1  }
0xa: {  	[smem:$0x3FAA] =	sst s2  }
0xb: {  	[smem:$0x3FAB] =	sst s3  }
0xc: {  	[smem:$0x3FAC] =	sst s4  }
0xd: {  	[smem:$0x3FAD] =	sst s5  }
0xe: {  	[smem:$0x3FAE] =	sst s6  }
0xf: {  	[smem:$0x3FAF] =	sst s7  }
0x10: {  	[smem:$0x3FB0] =	sst s8  }
0x11: {  	[smem:$0x3FB1] =	sst s9;
	s0 =	simm.s32 @!p0 $0x0  }
0x12: {  	s1 =	sld [smem:$0x3F97];
	s0 =	simm.s32 @p0 $0x1  }
0x13: {  	[smem:$0x3FB2] =	sst s0;
	s0 =	simm.s32 @!p1 $0x0  }
0x14: {  	s2 =	sld [smem:$0x3F96];
	s0 =	simm.s32 @p1 $0x1  }
0x15: {  	[smem:$0x3FB3] =	sst s0;
	s0 =	simm.s32 @!p2 $0x0  }
0x16: {  	s3 =	sld [smem:$0x3FDB];
	s0 =	simm.s32 @p2 $0x1  }
0x17: {  	s4 =	simm.s32 $0x1BF5;
	[smem:$0x3FB5] =	sst s0  }
0x18: {  	s0 =	sld [smem:$0x3F98];
	_ =	swait.ge [sflag:s4], $0x0  }
0x19: {  	s7 =	sld [smem:$0x3F99]  }
0x1a: {  	s8 =	sadd.s32 $0xFFFFE003, lr  }
0x1b: {  	s9 =	sadd.s32 $0xFFFFFEF7, lr;
	s5 =	simm.s32 $0xFFFFFFFF;
	p2 =	slt.u32 s8, $0xFFFFF086  }
0x1c: {  	p1 =	slt.u32 s9, $0xF7A;
	s5 =	simm.s32 @!p2 $0x0  }
0x1d: {  	s5 =	simm.s32 @p1 $0x1;
	p0 =	seq.s32 s7, s2  }
0x1e: {  	s7 =	smul.u32 @!p0 $0xF7A, s2;
	p2 =	seq.s32 @!p0 s5, $0x0  }
0x1f: {  	s9 =	smul.u32 $0xF7A, s1;
	s8 =	simm.s32 @!p0 $0x1BF5;
	p2 =	por !p2, p0  }
0x20: {  	[sflag:s8] =	ssyncset.s32 @!p0 $0xFFFFF086;
	s6 =	sadd.s32 @!p0 s3, s7;
	s7 =	simm.s32 @!p0 $0x108  }
0x21: {  	s3 =	sadd.s32 s3, s9;
	s6 =	sadd.s32 @!p0 $0x88, s6;
	s7 =	simm.s32 @p2 $0x1082  }
0x22: {  	[simem:s7], [sflag:s8] =	dma.local @!p0 [hbm:s6], $0xF7A  }
0x23: {  	s9 =	sor.u32 $0xD0000000, s2;
	s6 =	simm.s32 $0x108;
	_ =	swait.ge @!p0 [sflag:s8], $0x0  }
0x24: {  	s3 =	sadd.s32 $0x88, s3;
	s6 =	simm.s32 @!p1 $0x1082;
	[sflag:s4] =	ssyncset.s32 $0xFFFFF086  }
0x25: {  	[simem:s6], [sflag:s4] =	dma.local [hbm:s3], $0xF7A  }
0x26: {  	[smem:$0x3F99] =	sst s1;
	(tag) =	ssettag s2;
	_ =	strace s9  }
0x27: {  	s1 =	sld [smem:$0x3FA9]  }
0x28: {  	s2 =	sld [smem:$0x3FAA]  }
0x29: {  	s4 =	sld [smem:$0x3FAC]  }
0x2a: {  	p0 =	seq.s32 s5, $0x0;
	s5 =	sld [smem:$0x3FAD]  }
0x2b: {  	s6 =	sld [smem:$0x3FAE]  }
0x2c: {  	s7 =	sld [smem:$0x3FAF]  }
0x2d: {  	s3 =	simm.s32 $0x108;
	s8 =	sld [smem:$0x3FB0]  }
0x2e: {  	s3 =	simm.s32 @!p0 $0x1082;
	s9 =	sld [smem:$0x3FB1]  }
0x2f: {  	lr =	sadd.s32 s0, s3;
	s0 =	sld [smem:$0x3FA8]  }
0x30: {  	s3 =	sld [smem:$0x3FAB]  }
0x31: {  	[smem:$0x3FB4] =	sst s10  }
0x32: {  	s10 =	sld [smem:$0x3FB2];
	_ =	sdelay $0x3  }
0x33: {  	p0 =	seq.s32 s10, $0x1;
	s10 =	sld [smem:$0x3FB4];
	_ =	sdelay $0x3  }
0x34: {  	[smem:$0x3FB4] =	sst s10  }
0x35: {  	s10 =	sld [smem:$0x3FB3];
	_ =	sdelay $0x3  }
0x36: {  	p1 =	seq.s32 s10, $0x1;
	s10 =	sld [smem:$0x3FB4];
	_ =	sdelay $0x3  }
0x37: {  	[smem:$0x3FB4] =	sst s10  }
0x38: {  	s10 =	sld [smem:$0x3FB5]  }
0x39: {  	_ = 	snop;
	(pc) =	sbr.ind lr, $3  }
0x3a: {  	_ = 	snop  }
0x3b: {  	_ = 	snop  }
0x3c: {  	p2 =	seq.s32 s10, $0x1;
	s10 =	sld [smem:$0x3FB4]  }
0x3d: {  	_ =	shalt  }
0x3e: {  	_ =	shalt  }
0x3f: {  	_ =	shalt  }
0x40: {  	_ =	shalt  }
0x41: {  	_ =	shalt  }
0x42: {  	_ =	shalt  }
0x43: {  	_ =	shalt  }
0x44: {  	_ =	shalt  }
0x45: {  	_ =	shalt  }
0x46: {  	_ =	shalt  }
0x47: {  	_ =	shalt  }
0x48: {  	_ =	shalt  }
0x49: {  	_ =	shalt  }
0x4a: {  	_ =	shalt  }
0x4b: {  	_ =	shalt  }
0x4c: {  	_ =	shalt  }
0x4d: {  	_ =	shalt  }
0x4e: {  	_ =	shalt  }
0x4f: {  	_ =	shalt  }
0x50: {  	_ =	shalt  }
0x51: {  	_ =	shalt  }
0x52: {  	_ =	shalt  }
0x53: {  	_ =	shalt  }
0x54: {  	_ =	shalt  }
0x55: {  	_ =	shalt  }
0x56: {  	_ =	shalt  }
0x57: {  	_ =	shalt  }
0x58: {  	_ =	shalt  }
0x59: {  	_ =	shalt  }
0x5a: {  	_ =	shalt  }
0x5b: {  	_ =	shalt  }
0x5c: {  	_ =	shalt  }
0x5d: {  	_ =	shalt  }
0x5e: {  	_ =	shalt  }
0x5f: {  	_ =	shalt  }
0x60: {  	_ =	shalt  }
0x61: {  	_ =	shalt  }
0x62: {  	_ =	shalt  }
0x63: {  	_ =	shalt  }
0x64: {  	_ =	shalt  }
0x65: {  	_ =	shalt  }
0x66: {  	_ =	shalt  }
0x67: {  	_ =	shalt  }
0x68: {  	_ =	shalt  }
0x69: {  	_ =	shalt  }
0x6a: {  	_ =	shalt  }
0x6b: {  	_ =	shalt  }
0x6c: {  	_ =	shalt  }
0x6d: {  	_ =	shalt  }
0x6e: {  	_ =	shalt  }
0x6f: {  	_ =	shalt  }
0x70: {  	_ =	shalt  }
0x71: {  	_ =	shalt  }
0x72: {  	_ =	shalt  }
0x73: {  	_ =	shalt  }
0x74: {  	_ =	shalt  }
0x75: {  	_ =	shalt  }
0x76: {  	_ =	shalt  }
0x77: {  	_ =	shalt  }
0x78: {  	_ =	shalt  }
0x79: {  	_ =	shalt  }
0x7a: {  	_ =	shalt  }
0x7b: {  	_ =	shalt  }
0x7c: {  	_ =	shalt  }
0x7d: {  	_ =	shalt  }
0x7e: {  	_ =	shalt  }
0x7f: {  	_ =	shalt  }
0x80: {  	_ =	shalt  }
0x81: {  	_ =	shalt  }
0x82: {  	_ =	shalt  }
0x83: {  	_ =	shalt  }
0x84: {  	_ =	shalt  }
0x85: {  	_ =	shalt  }
0x86: {  	_ =	shalt  }
0x87: {  	_ =	shalt  }
.Lfunc_end0:
.L_simem_size_0:
called_computation_lowered:
.L_overlay_start_0:
0x88: {  	s2 =	sld [smem:$0x3FD9]  }
0x89: {  	s3 =	sld [smem:$0x3FFE];
	_ =	sdelay $0x1  }
0x8a: {  	s1 =	srdreg.scid  }
0x8b: {  	s0 =	sand.u32 $0x1, s1  }
0x8c: {  	s17 =	sshll.u32 s0, $0xA;
	s2 =	sadd.s32 s3, s2  }
0x8d: {  	s2 =	sadd.s32 s2, s17  }
0x8e: {  	[smem:$0x3FC0] =	sst s2  }
0x8f: {  	_ = 	snop  }
0x90: {  	s2 =	sld [smem:$0x3FD0];
	(tm) =	ssettm $0x1  }
0x91: {  	s18 =	sld [smem:$0x3FFB];
	_ =	sdelay $0x3  }
0x92: {  	_ =	strace s18  }
0x93: {  	s3 =	sld [smem:$0x3FFC];
	_ =	sdelay $0x3  }
0x94: {  	_ =	strace s3  }
0x95: {  	s3 =	sld [smem:$0x3FFD];
	_ =	sdelay $0x3  }
0x96: {  	_ =	strace s3  }
0x97: {  	_ =	strace $0x8FFFFFFF  }
0x98: {  	s19 =	sld [smem:$0x3FDB];
	_ =	sdelay $0x1  }
0x99: {  	s4 =	simm.s32 $_scs_section_size  }
0x9a: {  	s5 =	simm.s32 $_size__tile_overlayer_lowered;
	s6 =	simm.s32 $_tile_overlayer_lowered  }
0x9b: {  	s22 =	simm.s32 $0x1BFF;
	s21 =	sshll.u32 s6, $0x1;
	s3 =	sadd.s32 s4, s19  }
0x9c: {  	s7 =	simm.s32 $0x0;
	s20 =	sshll.u32 s5, $0x1;
	s5 =	sadd.s32 s21, s3  }
0x9d: {  	[timem:s7], [sflag:s22] =	dma.local [hbm:s5], s20  }
0x9e: {  	_ =	swait.ge [sflag:s22], s20  }
0x9f: {  	s4 =	ssub.s32 $0x0, s20;
	[sflag:s22] =	ssyncset.done $0x0  }
0xa0: {  	[sflag:s22] =	ssyncadd.s32 s4;
	_ =	sdelay $0x1  }
0xa1: {  	s23 =	simm.s32 $0x1B8B  }
0xa2: {  	_ =	swait.ge [sflag:s23], $0x1  }
0xa3: {  	[sflag:s23] =	ssyncset.done $0x0  }
0xa4: {  	s25 =	simm.s32 $0x1B8E;
	s24 =	sld [smem:$0x3FFE];
	[sflag:s23] =	ssyncadd.s32 $0xFFFFFFFF  }
0xa5: {  	s26 =	simm.s32 $execute0_lowered;
	[smem:$0x3FD2] =	sst s25  }
0xa6: {  	s5 =	sshll.u32 s26, $0x1;
	_ =	strace $0x80000046;
	[dreg:$0x1] =	wrdreg $0xFFFFFFFF  }
0xa7: {  	s28 =	simm.s32 $_size_execute0_lowered;
	s3 =	sadd.s32 s3, s5;
	[dreg:$0x0] =	wrdreg $0x0  }
0xa8: {  	s5 =	sshll.u32 s28, $0x1;
	[dreg:$0x2] =	wrdreg s3  }
0xa9: {  	[dreg:$0x3] =	wrdreg s5  }
0xaa: {  	[dreg:$0x4] =	wrdreg $0xC0  }
0xab: {  	_ =	task [dreg:s7], $0x5FFFF  }
0xac: {  	[dreg:$0x1] =	wrdreg $0xFFFFFFFF  }
0xad: {  	[dreg:$0x0] =	wrdreg $0x60  }
0xae: {  	[dreg:$0x2] =	wrdreg s2  }
0xaf: {  	[dreg:$0x3] =	wrdreg s24  }
0xb0: {  	[dreg:$0x4] =	wrdreg $0x7E000  }
0xb1: {  	[dreg:$0x5] =	wrdreg $0x9  }
0xb2: {  	_ =	task.clear_ibuf [dreg:s7], $0x6FFFF;
	_ =	strace $0x90000046  }
0xb3: {  	s29 =	simm.s32 $0x9;
	_ =	strace $0x80000048  }
0xb4: {  	_ =	swait.ge [sflag:s29], $0x1  }
0xb5: {  	[sflag:s29] =	ssyncadd.s32 $0xFFFFFFFF  }
0xb6: {  	_ =	strace $0x90000048  }
0xb7: {  	_ =	sfence  }
0xb8: {  	s30 =	sld [smem:$0x0];
	_ =	sdelay $0x2  }
0xb9: {  	s31 =	sshll.u32 s1, $0xD;
	s1 =	sshrl.u32 s1, $0x2  }
0xba: {  	s3 =	sand.u32 $0x4000, s31;
	s1 =	sadd.s32 s1, s30  }
0xbb: {  	s0 =	sor.u32 s3, s0;
	s1 =	sshll.u32 s1, $0x11  }
0xbc: {  	s0 =	sor.u32 s1, s0  }
0xbd: {  	s0 =	sadd.s32 $0x8F2B, s0  }
0xbe: {  	[sflag:s0] =	ssyncadd.remote.s32 $0x1  }
0xbf: {  	_ =	sfence.sel $0xFFFF  }
0xc0: {  	[dreg:$0x0] =	wrdreg $0xFFFFFFFF;
	(pc) =	sbr.abs _section_cstart, $3  }
0xc1: {  	[dreg:$0x1] =	wrdreg $0xFFFFFFFF  }
0xc2: {  	_ =	task.clear_ibuf [dreg:s7], $0x2FFFF;
	_ =	strace $0x9FFFFFFF  }
0xc3: {  	(tm) =	ssettm $0x7FFFFFFF  }
tec
execute0_lowered:
.L_overlay_start_1:
0x0: {  	(tag) =	ssettag $0x1  }
0x1: {  	s2 =	rddreg [dreg:$0x1]  }
0x2: {  	s0 =	srdreg.scid;
	s10 =	stileid.u32  }
0x3: {  	s1 =	rddreg [dreg:$0x2];
	s4 =	simm.s32 $0x0;
	s28 =	simm.s32 $0x4  }
0x4: {  	s30 =	simm.s32 $0x280;
	s31 =	simm.s32 $0x8;
	s6 =	sand.u32 $0x1, s0  }
0x5: {  	s12 =	sshll.u32 s10, $0x1;
	[smem:$0x7FF] =	sst s4;
	s16 =	smul.u32 $0x4E000, s10  }
0x6: {  	s8 =	sadd.s32 $0x15400, s2;
	s19 =	smul.u32 $0x4E20, s10;
	s23 =	sadd.s32 $0x138000, s1  }
0x7: {  	p0 =	sne.s32 s10, $0xF;
	s0 =	sor.u32 s6, s12;
	s7 =	smul.u32 $0x27100, s6  }
0x8: {  	_ =	strace $0x80000047;
	[dreg:$0x10] =	wrdreg s8;
	s5 =	smul.u32 $0x2710, s0  }
0x9: {  	s0 =	sadd.s32 $0x1A00, s2;
	s2 =	sadd.s32 s7, s2;
	s7 =	sshrl.u32 s16, $0x2  }
0xa: {  	[dreg:$0x1a] =	wrdreg s23;
	s5 =	sshrl.u32 s5, $0x3;
	s7 =	sadd.s32 s7, s1  }
0xb: {  	s13 =	ssub.s32 $0x2, s6;
	s11 =	sadd.s32 s0, s5;
	[dreg:$0x19] =	wrdreg s7  }
0xc: {  	s6 =	smul.u32 $0x2710, s6;
	s15 =	sadd.s32 $0x9C40, s11;
	[dreg:$0x11] =	wrdreg s11  }
0xd: {  	s14 =	sshrl.u32 s13, $0x1;
	s17 =	sadd.s32 $0xA, s11;
	[dreg:$0x12] =	wrdreg s15  }
0xe: {  	s6 =	sadd.s32 s6, s19;
	s18 =	sadd.s32 $0x9C4A, s11;
	[dreg:$0x13] =	wrdreg s17  }
0xf: {  	s26 =	sadd.s32 $0x4B0, s6;
	s9 =	sadd.s32 $0x14, s11;
	[dreg:$0x14] =	wrdreg s18  }
0x10: {  	s1 =	sadd.s32 $0x4E6B0, s6;
	s20 =	sadd.s32 $0x9C54, s11;
	[dreg:$0x15] =	wrdreg s9  }
0x11: {  	s3 =	sadd.s32 $0x460, s6;
	s21 =	sadd.s32 $0x1E, s11;
	[dreg:$0x16] =	wrdreg s20  }
0x12: {  	s5 =	ssub.s32 s13, s14;
	s22 =	sadd.s32 $0x9C5E, s11;
	[dreg:$0x17] =	wrdreg s21  }
0x13: {  	s7 =	sshrl.u32 s26, $0x3;
	s24 =	sadd.s32 $0x28, s11;
	[dreg:$0x18] =	wrdreg s22  }
0x14: {  	s8 =	sshrl.u32 s1, $0x3;
	s25 =	sadd.s32 $0x9C68, s11;
	[dreg:$0x1b] =	wrdreg s24  }
0x15: {  	s13 =	sshrl.u32 s3, $0x3;
	s29 =	sadd.s32 $0x32, s11;
	[dreg:$0x1c] =	wrdreg s25  }
0x16: {  	s3 =	sadd.s32 $0x4E570, s6;
	s7 =	sadd.s32 s7, s0;
	[dreg:$0x1d] =	wrdreg s29  }
0x17: {  	s12 =	sadd.s32 s8, s0;
	s14 =	sadd.s32 s13, s0;
	[dreg:$0x4] =	wrdreg s7  }
0x18: {  	s13 =	sadd.s32 $0x9C72, s11;
	[dreg:$0x5] =	wrdreg s12;
	s15 =	sadd.s32 $0x4E660, s6  }
0x19: {  	[dreg:$0x6] =	wrdreg s14;
	s17 =	sadd.s32 $0x410, s6;
	s18 =	sadd.s32 $0x4E610, s6  }
0x1a: {  	s22 =	sadd.s32 $0x3C0, s6;
	s24 =	sadd.s32 $0x4E5C0, s6;
	s25 =	sadd.s32 $0x370, s6  }
0x1b: {  	[dreg:$0x1e] =	wrdreg s13;
	s16 =	sshrl.u32 s15, $0x3;
	s15 =	sadd.s32 $0x3C, s11  }
0x1c: {  	s20 =	sshrl.u32 s18, $0x3;
	s18 =	sadd.s32 $0x46, s11;
	[dreg:$0x1f] =	wrdreg s15  }
0x1d: {  	s23 =	sshrl.u32 s22, $0x3;
	s22 =	sadd.s32 $0x50, s11;
	[smem:$0x7F3] =	sst s18  }
0x1e: {  	s29 =	sshrl.u32 s25, $0x3;
	s25 =	sadd.s32 $0x9C9A, s11;
	[smem:$0x7F8] =	sst s22  }
0x1f: {  	s8 =	sshrl.u32 s17, $0x3;
	s7 =	sadd.s32 s16, s0;
	[smem:$0x7FB] =	sst s25  }
0x20: {  	s12 =	sadd.s32 $0x320, s6;
	s19 =	sadd.s32 s8, s0;
	[dreg:$0x7] =	wrdreg s7  }
0x21: {  	s6 =	sadd.s32 $0x4E520, s6;
	s21 =	sadd.s32 s20, s0;
	[dreg:$0x8] =	wrdreg s19  }
0x22: {  	s6 =	sshrl.u32 s6, $0x3;
	s1 =	sadd.s32 s29, s0;
	[dreg:$0x9] =	wrdreg s21  }
0x23: {  	s17 =	smul.u32 $0x2700, s10;
	s16 =	sadd.s32 $0x9C7C, s11;
	[dreg:$0xc] =	wrdreg s1  }
0x24: {  	s8 =	sshrl.u32 s24, $0x3;
	s20 =	smax.u32 s5, $0x1;
	[smem:$0x7F2] =	sst s16  }
0x25: {  	s24 =	sadd.s32 $0x5A, s11;
	s29 =	sadd.s32 $0xA118, s11;
	[smem:$0x7F4] =	sst s20  }
0x26: {  	s15 =	simm.s32 $0x50;
	s25 =	simm.s32 $0x7;
	[smem:$0x7FA] =	sst s24  }
0x27: {  	s5 =	simm.s32 $0x6;
	s7 =	sadd.s32 s23, s0;
	[smem:$0x7FD] =	sst s29  }
0x28: {  	s26 =	sadd.s32 s8, s0;
	s8 =	sshrl.u32 s3, $0x3;
	[dreg:$0xa] =	wrdreg s7  }
0x29: {  	s19 =	sadd.s32 $0x17C00, s2;
	s21 =	sadd.s32 $0x9C86, s11;
	[dreg:$0xb] =	wrdreg s26  }
0x2a: {  	s23 =	sadd.s32 $0x9C90, s11;
	s1 =	simm.s32 $0x1;
	[smem:$0x7F5] =	sst s19  }
0x2b: {  	s20 =	simm.s32 $0x3;
	s2 =	simm.s32 $0xB;
	[smem:$0x7F7] =	sst s21  }
0x2c: {  	s3 =	simm.s32 $0x0;
	s7 =	sadd.s32 s8, s0;
	[smem:$0x7F9] =	sst s23  }
0x2d: {  	s8 =	sshrl.u32 s12, $0x3;
	s26 =	sadd.s32 $0x4D8, s11;
	[dreg:$0xd] =	wrdreg s7  }
0x2e: {  	s11 =	simm.s32 $0x80;
	s14 =	sadd.s32 s8, s0;
	[smem:$0x7FC] =	sst s26  }
0x2f: {  	s23 =	simm.s32 $0x9;
	s0 =	sadd.s32 s6, s0;
	[dreg:$0xe] =	wrdreg s14  }
0x30: {  	s26 =	simm.s32 $0xA;
	s6 =	simm.s32 $0xC;
	[dreg:$0xf] =	wrdreg s0  }
0x31: {  	s0 =	sadd.s32 s17, s19;
	s14 =	simm.s32 $0x2;
	s19 =	simm.s32 $0xD  }
0x32: {  	s17 =	simm.s32 $0x1;
	[smem:$0x7F6] =	sst s0;
	s0 =	simm.s32 $0x5  }
.LBB2_1:
0x33: {  	[smem:$0x7EE] =	sst s3  }
0x34: {  	s7 =	rddreg [dreg:$0x11]  }
0x35: {  	[tilespmem:s4], [sflag:$0x1] =	stream.linear.gather [hbm4b:s7+s4], $0x50, $0x38;
	[tilespmem:$0x1B680] =	vst v63  }
0x36: {  	s13 =	rddreg [dreg:$0x12];
	s9 =	simm.s32 $0x300  }
0x37: {  	[tilespmem:s9], [sflag:$0x1] =	stream.linear.gather [hbm4b:s13+s4], $0x50, $0x38;
	[tilespmem:$0x1B680] =	vst v63  }
0x38: {  	s16 =	rddreg [dreg:$0x13]  }
0x39: {  	[tilespmem:s11], [sflag:$0x2] =	stream.linear.gather [hbm4b:s16+s4], $0x50, $0x38;
	[tilespmem:$0x1B680] =	vst v63  }
0x3a: {  	s18 =	rddreg [dreg:$0x14];
	s10 =	simm.s32 $0x380  }
0x3b: {  	[tilespmem:s10], [sflag:$0x2] =	stream.linear.gather [hbm4b:s18+s4], $0x50, $0x38;
	[tilespmem:$0x1B680] =	vst v63  }
0x3c: {  	s21 =	rddreg [dreg:$0x15];
	s12 =	simm.s32 $0x100  }
0x3d: {  	[tilespmem:s12], [sflag:$0x3] =	stream.linear.gather [hbm4b:s21+s4], $0x50, $0x38;
	[tilespmem:$0x1B680] =	vst v63  }
0x3e: {  	s22 =	rddreg [dreg:$0x16];
	s13 =	simm.s32 $0x400  }
0x3f: {  	[tilespmem:s13], [sflag:$0x3] =	stream.linear.gather [hbm4b:s22+s4], $0x50, $0x38;
	[tilespmem:$0x1B680] =	vst v63  }
0x40: {  	s24 =	rddreg [dreg:$0x17];
	s22 =	simm.s32 $0x180  }
0x41: {  	[tilespmem:s22], [sflag:$0x4] =	stream.linear.gather [hbm4b:s24+s4], $0x50, $0x38;
	[tilespmem:$0x1B680] =	vst v63  }
0x42: {  	s29 =	rddreg [dreg:$0x18];
	s24 =	simm.s32 $0x480  }
0x43: {  	[tilespmem:s24], [sflag:$0x4] =	stream.linear.gather [hbm4b:s29+s4], $0x50, $0x38;
	[tilespmem:$0x1B680] =	vst v63  }
0x44: {  	_ =	swait.ge [sflag:s1], $0x50  }
0x45: {  	[sflag:s1] =	ssyncset.done $0x0  }
0x46: {  	[sflag:s1] =	ssyncadd.s32 $0xFFFFFFB0  }
0x47: {  	_ =	swait.ge [sflag:s1], $0x50  }
0x48: {  	[sflag:s1] =	ssyncset.done $0x0  }
0x49: {  	[sflag:s1] =	ssyncadd.s32 $0xFFFFFFB0  }
0x4a: {  	s16 =	simm.s32 $0x600;
	s1 =	rddreg [dreg:$0x0]  }
0x4b: {  	[tilespmem:s16], [sflag:$0x7] =	stream.indirect.gather [hbm4b:s1+s15], $0x80, s4, s15, $0xb8;
	[tilespmem:$0x1B680] =	vst v63  }
0x4c: {  	_ =	swait.ge [sflag:s14], $0x50  }
0x4d: {  	s3 =	stileid.u32;
	[sflag:s14] =	ssyncset.done $0x0  }
0x4e: {  	s7 =	sshll.u32 s3, $0x6;
	[sflag:s14] =	ssyncadd.s32 $0xFFFFFFB0  }
0x4f: {  	s3 =	sor.u32 $0x1C0D, s7;
	_ =	swait.ge [sflag:s14], $0x50  }
0x50: {  	s18 =	simm.s32 $0x2E00;
	[sflag:s14] =	ssyncset.done $0x0;
	s8 =	rddreg [dreg:$0x19]  }
0x51: {  	s7 =	rddreg [dreg:$0x10];
	[sflag:s14] =	ssyncadd.s32 $0xFFFFFFB0;
	s8 =	sshrl.u32 s8, $0x3  }
0x52: {  	[tilespmem:s18], [sflag:$0x8] =	stream.indirect.gather [hbm4b:s1+s15], $0x80, s11, s15, $0xb8;
	[tilespmem:$0x1B680] =	vst v63  }
0x53: {  	[smem:$0x7EF] =	sst s8  }
0x54: {  	[spmem:s8], [sflag:s3] =	dma.local [hbm:s7], $0x2700  }
0x55: {  	_ =	swait.ge [sflag:s19], $0x2700  }
0x56: {  	s8 =	rddreg [dreg:$0x1a]  }
0x57: {  	[sflag:s19] =	ssyncset.done $0x0;
	[smem:$0x7F0] =	sst s3;
	s8 =	sshrl.u32 @!p0 s8, $0x3  }
0x58: {  	[sflag:s19] =	ssyncadd.s32 $0xFFFFD900;
	[smem:$0x7F1] =	sst s8  }
0x59: {  	[spmem:s8], [sflag:s3] =	dma.local @!p0 [hbm:s7], $0x100  }
0x5a: {  	s7 =	simm.s32 @!p0 $0xD  }
0x5b: {  	_ =	swait.ge @!p0 [sflag:s7], $0x100  }
0x5c: {  	[sflag:s7] =	ssyncset.done @!p0 $0x0  }
0x5d: {  	[sflag:s7] =	ssyncadd.s32 @!p0 $0xFFFFFF00  }
0x5e: {  	[bflag:$0x0] =	sbarrier.arrive $0xFFFF  }
0x5f: {  	_ =	swait.ge [sflag:s20], $0x50  }
0x60: {  	[sflag:s20] =	ssyncset.done $0x0  }
0x61: {  	[sflag:s20] =	ssyncadd.s32 $0xFFFFFFB0  }
0x62: {  	_ =	swait.ge [sflag:s20], $0x50  }
0x63: {  	[sflag:s20] =	ssyncset.done $0x0  }
0x64: {  	s21 =	simm.s32 $0x5600;
	[sflag:s20] =	ssyncadd.s32 $0xFFFFFFB0  }
0x65: {  	[tilespmem:s21], [sflag:$0x9] =	stream.indirect.gather [hbm4b:s1+s15], $0x80, s12, s15, $0xb8;
	[tilespmem:$0x1B680] =	vst v63  }
0x66: {  	s8 =	simm.s32 $0x200;
	s14 =	rddreg [dreg:$0x1b]  }
0x67: {  	[tilespmem:s8], [sflag:$0x5] =	stream.linear.gather [hbm4b:s14+s4], $0x50, $0x38;
	[tilespmem:$0x1B680] =	vst v63  }
0x68: {  	s29 =	simm.s32 $0x500;
	s19 =	rddreg [dreg:$0x1c]  }
0x69: {  	[tilespmem:s29], [sflag:$0x5] =	stream.linear.gather [hbm4b:s19+s4], $0x50, $0x38;
	[tilespmem:$0x1B680] =	vst v63  }
0x6a: {  	_ =	swait.ge [sflag:s25], $0x2800  }
0x6b: {  	[sflag:s25] =	ssyncset.done $0x0  }
0x6c: {  	[sflag:s25] =	ssyncadd.s32 $0xFFFFD800  }
0x6d: {  	s14 =	rddreg [dreg:$0x2]  }
0x6e: {  	[spmem:s14] =	stream.indirect.scatter.add.f32 [tilespmem:s16], [sflag:$0xA], $0x80, s9, s15, $0xb8;
	[tilespmem:$0x1B680] =	vst v63  }
0x6f: {  	_ =	swait.ge [sflag:s26], $0x2800  }
0x70: {  	[sflag:s26] =	ssyncset.done $0x0  }
0x71: {  	[sflag:s26] =	ssyncadd.s32 $0xFFFFD800  }
0x72: {  	_ =	swait.ge [sflag:s28], $0x50  }
0x73: {  	[sflag:s28] =	ssyncset.done $0x0  }
0x74: {  	[sflag:s28] =	ssyncadd.s32 $0xFFFFFFB0  }
0x75: {  	_ =	swait.ge [sflag:s28], $0x50  }
0x76: {  	[sflag:s28] =	ssyncset.done $0x0  }
0x77: {  	[sflag:s28] =	ssyncadd.s32 $0xFFFFFFB0  }
0x78: {  	[tilespmem:s16], [sflag:$0x7] =	stream.indirect.gather [hbm4b:s1+s15], $0x80, s22, s15, $0xb8;
	[tilespmem:$0x1B680] =	vst v63  }
0x79: {  	s3 =	rddreg [dreg:$0x1d]  }
0x7a: {  	[tilespmem:s30], [sflag:$0x6] =	stream.linear.gather [hbm4b:s3+s4], $0x50, $0x38;
	[tilespmem:$0x1B680] =	vst v63  }
0x7b: {  	s7 =	rddreg [dreg:$0x1e];
	s3 =	simm.s32 $0x580  }
0x7c: {  	[tilespmem:s3], [sflag:$0x6] =	stream.linear.gather [hbm4b:s7+s4], $0x50, $0x38;
	[tilespmem:$0x1B680] =	vst v63  }
0x7d: {  	_ =	swait.ge [sflag:s31], $0x2800  }
0x7e: {  	[sflag:s31] =	ssyncset.done $0x0  }
0x7f: {  	[sflag:s31] =	ssyncadd.s32 $0xFFFFD800  }
0x80: {  	[spmem:s14] =	stream.indirect.scatter.add.f32 [tilespmem:s18], [sflag:$0xB], $0x80, s10, s15, $0xb8;
	[tilespmem:$0x1B680] =	vst v63  }
0x81: {  	_ =	swait.ge [sflag:s2], $0x2800  }
0x82: {  	[sflag:s2] =	ssyncset.done $0x0  }
0x83: {  	[sflag:s2] =	ssyncadd.s32 $0xFFFFD800  }
0x84: {  	_ =	swait.ge [sflag:s0], $0x50  }
0x85: {  	[sflag:s0] =	ssyncset.done $0x0  }
0x86: {  	[sflag:s0] =	ssyncadd.s32 $0xFFFFFFB0  }
0x87: {  	_ =	swait.ge [sflag:s0], $0x50  }
0x88: {  	[sflag:s0] =	ssyncset.done $0x0  }
0x89: {  	[sflag:s0] =	ssyncadd.s32 $0xFFFFFFB0  }
0x8a: {  	[tilespmem:s18], [sflag:$0x8] =	stream.indirect.gather [hbm4b:s1+s15], $0x80, s8, s15, $0xb8;
	[tilespmem:$0x1B680] =	vst v63  }
0x8b: {  	s7 =	rddreg [dreg:$0x1f]  }
0x8c: {  	[tilespmem:s4], [sflag:$0x1] =	stream.linear.gather [hbm4b:s7+s4], $0x50, $0x38;
	[tilespmem:$0x1B680] =	vst v63  }
0x8d: {  	s7 =	sld [smem:$0x7F2];
	_ =	sdelay $0x2  }
0x8e: {  	[tilespmem:s9], [sflag:$0x1] =	stream.linear.gather [hbm4b:s7+s4], $0x50, $0x38;
	[tilespmem:$0x1B680] =	vst v63  }
0x8f: {  	_ =	swait.ge [sflag:s23], $0x2800  }
0x90: {  	[sflag:s23] =	ssyncset.done $0x0  }
0x91: {  	[sflag:s23] =	ssyncadd.s32 $0xFFFFD800  }
0x92: {  	[spmem:s14] =	stream.indirect.scatter.add.f32 [tilespmem:s21], [sflag:$0xC], $0x80, s13, s15, $0xb8;
	[tilespmem:$0x1B680] =	vst v63  }
0x93: {  	_ =	swait.ge [sflag:s6], $0x2800  }
0x94: {  	[sflag:s6] =	ssyncset.done $0x0  }
0x95: {  	[sflag:s6] =	ssyncadd.s32 $0xFFFFD800  }
0x96: {  	_ =	swait.ge [sflag:s5], $0x50  }
0x97: {  	[sflag:s5] =	ssyncset.done $0x0  }
0x98: {  	[sflag:s5] =	ssyncadd.s32 $0xFFFFFFB0  }
0x99: {  	_ =	swait.ge [sflag:s5], $0x50  }
0x9a: {  	[sflag:s5] =	ssyncset.done $0x0  }
0x9b: {  	s7 =	sld [smem:$0x7F3];
	[sflag:s5] =	ssyncadd.s32 $0xFFFFFFB0  }
0x9c: {  	[tilespmem:s21], [sflag:$0x9] =	stream.indirect.gather [hbm4b:s1+s15], $0x80, s30, s15, $0xb8;
	[tilespmem:$0x1B680] =	vst v63  }
0x9d: {  	_ = 	snop  }
0x9e: {  	[tilespmem:s11], [sflag:$0x2] =	stream.linear.gather [hbm4b:s7+s4], $0x50, $0x38;
	[tilespmem:$0x1B680] =	vst v63  }
0x9f: {  	s7 =	sld [smem:$0x7F7];
	_ =	sdelay $0x2  }
0xa0: {  	[tilespmem:s10], [sflag:$0x2] =	stream.linear.gather [hbm4b:s7+s4], $0x50, $0x38;
	[tilespmem:$0x1B680] =	vst v63  }
0xa1: {  	_ =	swait.ge [sflag:s25], $0x2800  }
0xa2: {  	[sflag:s25] =	ssyncset.done $0x0  }
0xa3: {  	[sflag:s25] =	ssyncadd.s32 $0xFFFFD800  }
0xa4: {  	[spmem:s14] =	stream.indirect.scatter.add.f32 [tilespmem:s16], [sflag:$0xA], $0x80, s24, s15, $0xb8;
	[tilespmem:$0x1B680] =	vst v63  }
0xa5: {  	_ =	swait.ge [sflag:s26], $0x2800  }
0xa6: {  	[sflag:s26] =	ssyncset.done $0x0  }
0xa7: {  	[sflag:s26] =	ssyncadd.s32 $0xFFFFD800  }
0xa8: {  	_ =	swait.ge [sflag:s17], $0x50  }
0xa9: {  	[sflag:s17] =	ssyncset.done $0x0  }
0xaa: {  	[sflag:s17] =	ssyncadd.s32 $0xFFFFFFB0  }
0xab: {  	_ =	swait.ge [sflag:s17], $0x50  }
0xac: {  	[sflag:s17] =	ssyncset.done $0x0  }
0xad: {  	s7 =	sld [smem:$0x7F8];
	[sflag:s17] =	ssyncadd.s32 $0xFFFFFFB0  }
0xae: {  	[tilespmem:s16], [sflag:$0x7] =	stream.indirect.gather [hbm4b:s1+s15], $0x80, s4, s15, $0xb8;
	[tilespmem:$0x1B680] =	vst v63  }
0xaf: {  	_ = 	snop  }
0xb0: {  	[tilespmem:s12], [sflag:$0x3] =	stream.linear.gather [hbm4b:s7+s4], $0x50, $0x38;
	[tilespmem:$0x1B680] =	vst v63  }
0xb1: {  	s7 =	sld [smem:$0x7F9];
	_ =	sdelay $0x2  }
0xb2: {  	[tilespmem:s13], [sflag:$0x3] =	stream.linear.gather [hbm4b:s7+s4], $0x50, $0x38;
	[tilespmem:$0x1B680] =	vst v63  }
0xb3: {  	_ =	swait.ge [sflag:s31], $0x2800  }
0xb4: {  	[sflag:s31] =	ssyncset.done $0x0  }
0xb5: {  	[sflag:s31] =	ssyncadd.s32 $0xFFFFD800  }
0xb6: {  	[spmem:s14] =	stream.indirect.scatter.add.f32 [tilespmem:s18], [sflag:$0xB], $0x80, s29, s15, $0xb8;
	[tilespmem:$0x1B680] =	vst v63  }
0xb7: {  	_ =	swait.ge [sflag:s2], $0x2800  }
0xb8: {  	[sflag:s2] =	ssyncset.done $0x0  }
0xb9: {  	s19 =	simm.s32 $0x2;
	[sflag:s2] =	ssyncadd.s32 $0xFFFFD800  }
0xba: {  	_ =	swait.ge [sflag:s19], $0x50  }
0xbb: {  	[sflag:s19] =	ssyncset.done $0x0  }
0xbc: {  	[sflag:s19] =	ssyncadd.s32 $0xFFFFFFB0  }
0xbd: {  	_ =	swait.ge [sflag:s19], $0x50  }
0xbe: {  	[sflag:s19] =	ssyncset.done $0x0  }
0xbf: {  	[sflag:s19] =	ssyncadd.s32 $0xFFFFFFB0;
	s19 =	sld [smem:$0x7FA]  }
0xc0: {  	[tilespmem:s18], [sflag:$0x8] =	stream.indirect.gather [hbm4b:s1+s15], $0x80, s11, s15, $0xb8;
	[tilespmem:$0x1B680] =	vst v63  }
0xc1: {  	_ = 	snop  }
0xc2: {  	[tilespmem:s22], [sflag:$0x4] =	stream.linear.gather [hbm4b:s19+s4], $0x50, $0x38;
	[tilespmem:$0x1B680] =	vst v63  }
0xc3: {  	s19 =	sld [smem:$0x7FB];
	_ =	sdelay $0x2  }
0xc4: {  	[tilespmem:s24], [sflag:$0x4] =	stream.linear.gather [hbm4b:s19+s4], $0x50, $0x38;
	[tilespmem:$0x1B680] =	vst v63  }
0xc5: {  	_ =	swait.ge [sflag:s23], $0x2800  }
0xc6: {  	[sflag:s23] =	ssyncset.done $0x0  }
0xc7: {  	[sflag:s23] =	ssyncadd.s32 $0xFFFFD800  }
0xc8: {  	[spmem:s14] =	stream.indirect.scatter.add.f32 [tilespmem:s21], [sflag:$0xC], $0x80, s3, s15, $0xb8;
	[tilespmem:$0x1B680] =	vst v63  }
0xc9: {  	_ =	swait.ge [sflag:s6], $0x2800  }
0xca: {  	[sflag:s6] =	ssyncset.done $0x0  }
0xcb: {  	[sflag:s6] =	ssyncadd.s32 $0xFFFFD800  }
0xcc: {  	_ =	swait.ge [sflag:s20], $0x50  }
0xcd: {  	[sflag:s20] =	ssyncset.done $0x0  }
0xce: {  	[sflag:s20] =	ssyncadd.s32 $0xFFFFFFB0  }
0xcf: {  	_ =	swait.ge [sflag:s20], $0x50  }
0xd0: {  	[sflag:s20] =	ssyncset.done $0x0  }
0xd1: {  	s7 =	rddreg [dreg:$0xe];
	[sflag:s20] =	ssyncadd.s32 $0xFFFFFFB0  }
0xd2: {  	[tilespmem:s21], [sflag:$0x9] =	stream.indirect.gather [hbm4b:s1+s15], $0x80, s12, s15, $0xb8;
	[tilespmem:$0x1B680] =	vst v63  }
0xd3: {  	s19 =	rddreg [dreg:$0xf];
	s7 =	sadd.s32 $0x0, s7  }
0xd4: {  	[tilespmem:s8], [sflag:$0x5] =	stream.linear.gather [hbm4b:s7+s4], $0x50, $0x38;
	[tilespmem:$0x1B680] =	vst v63  }
0xd5: {  	s19 =	sadd.s32 $0x0, s19  }
0xd6: {  	[tilespmem:s29], [sflag:$0x5] =	stream.linear.gather [hbm4b:s19+s4], $0x50, $0x38;
	[tilespmem:$0x1B680] =	vst v63  }
0xd7: {  	_ =	swait.ge [sflag:s25], $0x2800  }
0xd8: {  	[sflag:s25] =	ssyncset.done $0x0  }
0xd9: {  	[sflag:s25] =	ssyncadd.s32 $0xFFFFD800  }
0xda: {  	[spmem:s14] =	stream.indirect.scatter.add.f32 [tilespmem:s16], [sflag:$0xA], $0x80, s9, s15, $0xb8;
	[tilespmem:$0x1B680] =	vst v63  }
0xdb: {  	_ =	swait.ge [sflag:s26], $0x2800  }
0xdc: {  	[sflag:s26] =	ssyncset.done $0x0  }
0xdd: {  	[sflag:s26] =	ssyncadd.s32 $0xFFFFD800  }
0xde: {  	_ =	swait.ge [sflag:s28], $0x50  }
0xdf: {  	[sflag:s28] =	ssyncset.done $0x0  }
0xe0: {  	[sflag:s28] =	ssyncadd.s32 $0xFFFFFFB0  }
0xe1: {  	_ =	swait.ge [sflag:s28], $0x50  }
0xe2: {  	[sflag:s28] =	ssyncset.done $0x0  }
0xe3: {  	s7 =	rddreg [dreg:$0xc];
	[sflag:s28] =	ssyncadd.s32 $0xFFFFFFB0  }
0xe4: {  	[tilespmem:s16], [sflag:$0x7] =	stream.indirect.gather [hbm4b:s1+s15], $0x80, s22, s15, $0xb8;
	[tilespmem:$0x1B680] =	vst v63  }
0xe5: {  	s19 =	rddreg [dreg:$0xd];
	s7 =	sadd.s32 $0x0, s7  }
0xe6: {  	[tilespmem:s30], [sflag:$0x6] =	stream.linear.gather [hbm4b:s7+s4], $0x50, $0x38;
	[tilespmem:$0x1B680] =	vst v63  }
0xe7: {  	s19 =	sadd.s32 $0x0, s19  }
0xe8: {  	[tilespmem:s3], [sflag:$0x6] =	stream.linear.gather [hbm4b:s19+s4], $0x50, $0x38;
	[tilespmem:$0x1B680] =	vst v63  }
0xe9: {  	_ =	swait.ge [sflag:s31], $0x2800  }
0xea: {  	[sflag:s31] =	ssyncset.done $0x0  }
0xeb: {  	[sflag:s31] =	ssyncadd.s32 $0xFFFFD800  }
0xec: {  	[spmem:s14] =	stream.indirect.scatter.add.f32 [tilespmem:s18], [sflag:$0xB], $0x80, s10, s15, $0xb8;
	[tilespmem:$0x1B680] =	vst v63  }
0xed: {  	_ =	swait.ge [sflag:s2], $0x2800  }
0xee: {  	[sflag:s2] =	ssyncset.done $0x0  }
0xef: {  	[sflag:s2] =	ssyncadd.s32 $0xFFFFD800  }
0xf0: {  	_ =	swait.ge [sflag:s0], $0x50  }
0xf1: {  	[sflag:s0] =	ssyncset.done $0x0  }
0xf2: {  	[sflag:s0] =	ssyncadd.s32 $0xFFFFFFB0  }
0xf3: {  	_ =	swait.ge [sflag:s0], $0x50  }
0xf4: {  	[sflag:s0] =	ssyncset.done $0x0  }
0xf5: {  	s19 =	rddreg [dreg:$0xa];
	[sflag:s0] =	ssyncadd.s32 $0xFFFFFFB0  }
0xf6: {  	[tilespmem:s18], [sflag:$0x8] =	stream.indirect.gather [hbm4b:s1+s15], $0x80, s8, s15, $0xb8;
	[tilespmem:$0x1B680] =	vst v63  }
0xf7: {  	s3 =	rddreg [dreg:$0xb];
	s7 =	sadd.s32 $0x0, s19  }
0xf8: {  	[tilespmem:s4], [sflag:$0x1] =	stream.linear.gather [hbm4b:s7+s4], $0x50, $0x38;
	[tilespmem:$0x1B680] =	vst v63  }
0xf9: {  	s8 =	sadd.s32 $0x0, s3  }
0xfa: {  	[tilespmem:s9], [sflag:$0x1] =	stream.linear.gather [hbm4b:s8+s4], $0x50, $0x38;
	[tilespmem:$0x1B680] =	vst v63  }
0xfb: {  	_ =	swait.ge [sflag:s23], $0x2800  }
0xfc: {  	[sflag:s23] =	ssyncset.done $0x0  }
0xfd: {  	[sflag:s23] =	ssyncadd.s32 $0xFFFFD800  }
0xfe: {  	[spmem:s14] =	stream.indirect.scatter.add.f32 [tilespmem:s21], [sflag:$0xC], $0x80, s13, s15, $0xb8;
	[tilespmem:$0x1B680] =	vst v63  }
0xff: {  	_ =	swait.ge [sflag:s6], $0x2800  }
0x100: {  	[sflag:s6] =	ssyncset.done $0x0  }
0x101: {  	[sflag:s6] =	ssyncadd.s32 $0xFFFFD800  }
0x102: {  	_ =	swait.ge [sflag:s5], $0x50  }
0x103: {  	[sflag:s5] =	ssyncset.done $0x0  }
0x104: {  	[sflag:s5] =	ssyncadd.s32 $0xFFFFFFB0  }
0x105: {  	_ =	swait.ge [sflag:s5], $0x50  }
0x106: {  	[sflag:s5] =	ssyncset.done $0x0  }
0x107: {  	s19 =	rddreg [dreg:$0x8];
	[sflag:s5] =	ssyncadd.s32 $0xFFFFFFB0  }
0x108: {  	[tilespmem:s21], [sflag:$0x9] =	stream.indirect.gather [hbm4b:s1+s15], $0x80, s30, s15, $0xb8;
	[tilespmem:$0x1B680] =	vst v63  }
0x109: {  	s3 =	rddreg [dreg:$0x9];
	s7 =	sadd.s32 $0x0, s19  }
0x10a: {  	[tilespmem:s11], [sflag:$0x2] =	stream.linear.gather [hbm4b:s7+s4], $0x50, $0x38;
	[tilespmem:$0x1B680] =	vst v63  }
0x10b: {  	s8 =	sadd.s32 $0x0, s3  }
0x10c: {  	[tilespmem:s10], [sflag:$0x2] =	stream.linear.gather [hbm4b:s8+s4], $0x50, $0x38;
	[tilespmem:$0x1B680] =	vst v63  }
0x10d: {  	_ =	swait.ge [sflag:s25], $0x2800  }
0x10e: {  	[sflag:s25] =	ssyncset.done $0x0  }
0x10f: {  	[sflag:s25] =	ssyncadd.s32 $0xFFFFD800  }
0x110: {  	[spmem:s14] =	stream.indirect.scatter.add.f32 [tilespmem:s16], [sflag:$0xA], $0x80, s24, s15, $0xb8;
	[tilespmem:$0x1B680] =	vst v63  }
0x111: {  	_ =	swait.ge [sflag:s26], $0x2800  }
0x112: {  	[sflag:s26] =	ssyncset.done $0x0  }
0x113: {  	[sflag:s26] =	ssyncadd.s32 $0xFFFFD800  }
0x114: {  	_ =	swait.ge [sflag:s17], $0x50  }
0x115: {  	[sflag:s17] =	ssyncset.done $0x0  }
0x116: {  	[sflag:s17] =	ssyncadd.s32 $0xFFFFFFB0  }
0x117: {  	_ =	swait.ge [sflag:s17], $0x50  }
0x118: {  	[sflag:s17] =	ssyncset.done $0x0  }
0x119: {  	s9 =	rddreg [dreg:$0x6];
	[sflag:s17] =	ssyncadd.s32 $0xFFFFFFB0  }
0x11a: {  	[tilespmem:s16], [sflag:$0x7] =	stream.indirect.gather [hbm4b:s1+s15], $0x80, s4, s15, $0xb8;
	[tilespmem:$0x1B680] =	vst v63  }
0x11b: {  	s10 =	rddreg [dreg:$0x7];
	s7 =	sadd.s32 $0x0, s9  }
0x11c: {  	[tilespmem:s12], [sflag:$0x3] =	stream.linear.gather [hbm4b:s7+s4], $0x50, $0x38;
	[tilespmem:$0x1B680] =	vst v63  }
0x11d: {  	s12 =	sadd.s32 $0x0, s10  }
0x11e: {  	[tilespmem:s13], [sflag:$0x3] =	stream.linear.gather [hbm4b:s12+s4], $0x50, $0x38;
	[tilespmem:$0x1B680] =	vst v63  }
0x11f: {  	_ =	swait.ge [sflag:s31], $0x2800  }
0x120: {  	[sflag:s31] =	ssyncset.done $0x0  }
0x121: {  	[sflag:s31] =	ssyncadd.s32 $0xFFFFD800  }
0x122: {  	[spmem:s14] =	stream.indirect.scatter.add.f32 [tilespmem:s18], [sflag:$0xB], $0x80, s29, s15, $0xb8;
	[tilespmem:$0x1B680] =	vst v63  }
0x123: {  	_ =	swait.ge [sflag:s2], $0x2800  }
0x124: {  	[sflag:s2] =	ssyncset.done $0x0  }
0x125: {  	s16 =	simm.s32 $0x2;
	[sflag:s2] =	ssyncadd.s32 $0xFFFFD800  }
0x126: {  	_ =	swait.ge [sflag:s16], $0x50  }
0x127: {  	[sflag:s16] =	ssyncset.done $0x0  }
0x128: {  	[sflag:s16] =	ssyncadd.s32 $0xFFFFFFB0  }
0x129: {  	_ =	swait.ge [sflag:s16], $0x50  }
0x12a: {  	[sflag:s16] =	ssyncset.done $0x0  }
0x12b: {  	s19 =	rddreg [dreg:$0x4];
	[sflag:s16] =	ssyncadd.s32 $0xFFFFFFB0  }
0x12c: {  	[tilespmem:s18], [sflag:$0x8] =	stream.indirect.gather [hbm4b:s1+s15], $0x80, s11, s15, $0xb8;
	[tilespmem:$0x1B680] =	vst v63  }
0x12d: {  	s21 =	rddreg [dreg:$0x5];
	s7 =	sadd.s32 $0x0, s19  }
0x12e: {  	[tilespmem:s22], [sflag:$0x4] =	stream.linear.gather [hbm4b:s7+s4], $0x50, $0x38;
	[tilespmem:$0x1B680] =	vst v63  }
0x12f: {  	s29 =	sadd.s32 $0x0, s21  }
0x130: {  	[tilespmem:s24], [sflag:$0x4] =	stream.linear.gather [hbm4b:s29+s4], $0x50, $0x38;
	[tilespmem:$0x1B680] =	vst v63  }
0x131: {  	_ =	swait.ge [sflag:s23], $0x2800  }
0x132: {  	[sflag:s23] =	ssyncset.done $0x0  }
0x133: {  	s19 =	simm.s32 $0x3C;
	[sflag:s23] =	ssyncadd.s32 $0xFFFFD800  }
.LBB2_2:
0x134: {  	s12 =	simm.s32 $0x5600;
	s13 =	simm.s32 $0x580;
	s14 =	rddreg [dreg:$0x2]  }
0x135: {  	[spmem:s14] =	stream.indirect.scatter.add.f32 [tilespmem:s12], [sflag:$0xC], $0x80, s13, s15, $0xb8;
	[tilespmem:$0x1B680] =	vst v63  }
0x136: {  	_ =	swait.ge [sflag:s6], $0x2800  }
0x137: {  	[sflag:s6] =	ssyncset.done $0x0  }
0x138: {  	[sflag:s6] =	ssyncadd.s32 $0xFFFFD800  }
0x139: {  	_ =	swait.ge [sflag:s20], $0x50  }
0x13a: {  	[sflag:s20] =	ssyncset.done $0x0  }
0x13b: {  	[sflag:s20] =	ssyncadd.s32 $0xFFFFFFB0  }
0x13c: {  	_ =	swait.ge [sflag:s20], $0x50  }
0x13d: {  	[sflag:s20] =	ssyncset.done $0x0  }
0x13e: {  	s8 =	rddreg [dreg:$0xe];
	[sflag:s20] =	ssyncadd.s32 $0xFFFFFFB0  }
0x13f: {  	s7 =	smov.u32 s19;
	s22 =	simm.s32 $0x100;
	s3 =	rddreg [dreg:$0x0]  }
0x140: {  	[tilespmem:s12], [sflag:$0x9] =	stream.indirect.gather [hbm4b:s3+s15], $0x80, s22, s15, $0xb8;
	[tilespmem:$0x1B680] =	vst v63  }
0x141: {  	s10 =	simm.s32 $0x200;
	s9 =	rddreg [dreg:$0xf];
	s8 =	sadd.s32 s7, s8  }
0x142: {  	[tilespmem:s10], [sflag:$0x5] =	stream.linear.gather [hbm4b:s8+s4], $0x50, $0x38;
	[tilespmem:$0x1B680] =	vst v63  }
0x143: {  	s16 =	simm.s32 $0x500;
	s1 =	sadd.s32 s7, s9  }
0x144: {  	[tilespmem:s16], [sflag:$0x5] =	stream.linear.gather [hbm4b:s1+s4], $0x50, $0x38;
	[tilespmem:$0x1B680] =	vst v63  }
0x145: {  	_ =	swait.ge [sflag:s25], $0x2800  }
0x146: {  	[sflag:s25] =	ssyncset.done $0x0  }
0x147: {  	s11 =	simm.s32 $0x300;
	s18 =	simm.s32 $0x600;
	[sflag:s25] =	ssyncadd.s32 $0xFFFFD800  }
0x148: {  	[spmem:s14] =	stream.indirect.scatter.add.f32 [tilespmem:s18], [sflag:$0xA], $0x80, s11, s15, $0xb8;
	[tilespmem:$0x1B680] =	vst v63  }
0x149: {  	_ =	swait.ge [sflag:s26], $0x2800  }
0x14a: {  	[sflag:s26] =	ssyncset.done $0x0  }
0x14b: {  	[sflag:s26] =	ssyncadd.s32 $0xFFFFD800  }
0x14c: {  	_ =	swait.ge [sflag:s28], $0x50  }
0x14d: {  	[sflag:s28] =	ssyncset.done $0x0  }
0x14e: {  	[sflag:s28] =	ssyncadd.s32 $0xFFFFFFB0  }
0x14f: {  	_ =	swait.ge [sflag:s28], $0x50  }
0x150: {  	[sflag:s28] =	ssyncset.done $0x0  }
0x151: {  	s29 =	simm.s32 $0x180;
	s9 =	rddreg [dreg:$0xc];
	[sflag:s28] =	ssyncadd.s32 $0xFFFFFFB0  }
0x152: {  	[tilespmem:s18], [sflag:$0x7] =	stream.indirect.gather [hbm4b:s3+s15], $0x80, s29, s15, $0xb8;
	[tilespmem:$0x1B680] =	vst v63  }
0x153: {  	s21 =	rddreg [dreg:$0xd];
	s8 =	sadd.s32 s7, s9  }
0x154: {  	[tilespmem:s30], [sflag:$0x6] =	stream.linear.gather [hbm4b:s8+s4], $0x50, $0x38;
	[tilespmem:$0x1B680] =	vst v63  }
0x155: {  	s24 =	sadd.s32 s7, s21  }
0x156: {  	[tilespmem:s13], [sflag:$0x6] =	stream.linear.gather [hbm4b:s24+s4], $0x50, $0x38;
	[tilespmem:$0x1B680] =	vst v63  }
0x157: {  	_ =	swait.ge [sflag:s31], $0x2800  }
0x158: {  	[sflag:s31] =	ssyncset.done $0x0  }
0x159: {  	s21 =	simm.s32 $0x2E00;
	s13 =	simm.s32 $0x380;
	[sflag:s31] =	ssyncadd.s32 $0xFFFFD800  }
0x15a: {  	[spmem:s14] =	stream.indirect.scatter.add.f32 [tilespmem:s21], [sflag:$0xB], $0x80, s13, s15, $0xb8;
	[tilespmem:$0x1B680] =	vst v63  }
0x15b: {  	_ =	swait.ge [sflag:s2], $0x2800  }
0x15c: {  	[sflag:s2] =	ssyncset.done $0x0  }
0x15d: {  	[sflag:s2] =	ssyncadd.s32 $0xFFFFD800  }
0x15e: {  	_ =	swait.ge [sflag:s0], $0x50  }
0x15f: {  	[sflag:s0] =	ssyncset.done $0x0  }
0x160: {  	[sflag:s0] =	ssyncadd.s32 $0xFFFFFFB0  }
0x161: {  	_ =	swait.ge [sflag:s0], $0x50  }
0x162: {  	[sflag:s0] =	ssyncset.done $0x0  }
0x163: {  	s9 =	rddreg [dreg:$0xa];
	[sflag:s0] =	ssyncadd.s32 $0xFFFFFFB0  }
0x164: {  	[tilespmem:s21], [sflag:$0x8] =	stream.indirect.gather [hbm4b:s3+s15], $0x80, s10, s15, $0xb8;
	[tilespmem:$0x1B680] =	vst v63  }
0x165: {  	s24 =	rddreg [dreg:$0xb];
	s8 =	sadd.s32 s7, s9  }
0x166: {  	[tilespmem:s4], [sflag:$0x1] =	stream.linear.gather [hbm4b:s8+s4], $0x50, $0x38;
	[tilespmem:$0x1B680] =	vst v63  }
0x167: {  	s24 =	sadd.s32 s7, s24  }
0x168: {  	[tilespmem:s11], [sflag:$0x1] =	stream.linear.gather [hbm4b:s24+s4], $0x50, $0x38;
	[tilespmem:$0x1B680] =	vst v63  }
0x169: {  	_ =	swait.ge [sflag:s23], $0x2800  }
0x16a: {  	[sflag:s23] =	ssyncset.done $0x0  }
0x16b: {  	s24 =	simm.s32 $0x400;
	[sflag:s23] =	ssyncadd.s32 $0xFFFFD800  }
0x16c: {  	[spmem:s14] =	stream.indirect.scatter.add.f32 [tilespmem:s12], [sflag:$0xC], $0x80, s24, s15, $0xb8;
	[tilespmem:$0x1B680] =	vst v63  }
0x16d: {  	_ =	swait.ge [sflag:s6], $0x2800  }
0x16e: {  	[sflag:s6] =	ssyncset.done $0x0  }
0x16f: {  	[sflag:s6] =	ssyncadd.s32 $0xFFFFD800  }
0x170: {  	_ =	swait.ge [sflag:s5], $0x50  }
0x171: {  	[sflag:s5] =	ssyncset.done $0x0  }
0x172: {  	[sflag:s5] =	ssyncadd.s32 $0xFFFFFFB0  }
0x173: {  	_ =	swait.ge [sflag:s5], $0x50  }
0x174: {  	[sflag:s5] =	ssyncset.done $0x0  }
0x175: {  	s8 =	rddreg [dreg:$0x8];
	[sflag:s5] =	ssyncadd.s32 $0xFFFFFFB0  }
0x176: {  	[tilespmem:s12], [sflag:$0x9] =	stream.indirect.gather [hbm4b:s3+s15], $0x80, s30, s15, $0xb8;
	[tilespmem:$0x1B680] =	vst v63  }
0x177: {  	s11 =	simm.s32 $0x80;
	s9 =	rddreg [dreg:$0x9];
	s8 =	sadd.s32 s7, s8  }
0x178: {  	[tilespmem:s11], [sflag:$0x2] =	stream.linear.gather [hbm4b:s8+s4], $0x50, $0x38;
	[tilespmem:$0x1B680] =	vst v63  }
0x179: {  	s9 =	sadd.s32 s7, s9  }
0x17a: {  	[tilespmem:s13], [sflag:$0x2] =	stream.linear.gather [hbm4b:s9+s4], $0x50, $0x38;
	[tilespmem:$0x1B680] =	vst v63  }
0x17b: {  	_ =	swait.ge [sflag:s25], $0x2800  }
0x17c: {  	[sflag:s25] =	ssyncset.done $0x0  }
0x17d: {  	s30 =	simm.s32 $0x480;
	[sflag:s25] =	ssyncadd.s32 $0xFFFFD800  }
0x17e: {  	[spmem:s14] =	stream.indirect.scatter.add.f32 [tilespmem:s18], [sflag:$0xA], $0x80, s30, s15, $0xb8;
	[tilespmem:$0x1B680] =	vst v63  }
0x17f: {  	_ =	swait.ge [sflag:s26], $0x2800  }
0x180: {  	[sflag:s26] =	ssyncset.done $0x0  }
0x181: {  	[sflag:s26] =	ssyncadd.s32 $0xFFFFD800  }
0x182: {  	_ =	swait.ge [sflag:s17], $0x50  }
0x183: {  	[sflag:s17] =	ssyncset.done $0x0  }
0x184: {  	[sflag:s17] =	ssyncadd.s32 $0xFFFFFFB0  }
0x185: {  	_ =	swait.ge [sflag:s17], $0x50  }
0x186: {  	[sflag:s17] =	ssyncset.done $0x0  }
0x187: {  	s13 =	rddreg [dreg:$0x6];
	[sflag:s17] =	ssyncadd.s32 $0xFFFFFFB0  }
0x188: {  	[tilespmem:s18], [sflag:$0x7] =	stream.indirect.gather [hbm4b:s3+s15], $0x80, s4, s15, $0xb8;
	[tilespmem:$0x1B680] =	vst v63  }
0x189: {  	s9 =	rddreg [dreg:$0x7];
	s8 =	sadd.s32 s7, s13  }
0x18a: {  	[tilespmem:s22], [sflag:$0x3] =	stream.linear.gather [hbm4b:s8+s4], $0x50, $0x38;
	[tilespmem:$0x1B680] =	vst v63  }
0x18b: {  	s9 =	sadd.s32 s7, s9  }
0x18c: {  	[tilespmem:s24], [sflag:$0x3] =	stream.linear.gather [hbm4b:s9+s4], $0x50, $0x38;
	[tilespmem:$0x1B680] =	vst v63  }
0x18d: {  	_ =	swait.ge [sflag:s31], $0x2800  }
0x18e: {  	[sflag:s31] =	ssyncset.done $0x0  }
0x18f: {  	[sflag:s31] =	ssyncadd.s32 $0xFFFFD800  }
0x190: {  	[spmem:s14] =	stream.indirect.scatter.add.f32 [tilespmem:s21], [sflag:$0xB], $0x80, s16, s15, $0xb8;
	[tilespmem:$0x1B680] =	vst v63  }
0x191: {  	_ =	swait.ge [sflag:s2], $0x2800  }
0x192: {  	[sflag:s2] =	ssyncset.done $0x0  }
0x193: {  	s14 =	simm.s32 $0x2;
	[sflag:s2] =	ssyncadd.s32 $0xFFFFD800  }
0x194: {  	_ =	swait.ge [sflag:s14], $0x50  }
0x195: {  	[sflag:s14] =	ssyncset.done $0x0  }
0x196: {  	[sflag:s14] =	ssyncadd.s32 $0xFFFFFFB0  }
0x197: {  	_ =	swait.ge [sflag:s14], $0x50  }
0x198: {  	p1 =	sne.s32 s19, $0x438;
	[sflag:s14] =	ssyncset.done $0x0  }
0x199: {  	s19 =	sadd.s32 $0x3C, s19;
	s16 =	rddreg [dreg:$0x4];
	[sflag:s14] =	ssyncadd.s32 $0xFFFFFFB0  }
0x19a: {  	[tilespmem:s21], [sflag:$0x8] =	stream.indirect.gather [hbm4b:s3+s15], $0x80, s11, s15, $0xb8;
	[tilespmem:$0x1B680] =	vst v63  }
0x19b: {  	s1 =	simm.s32 $0x580;
	s18 =	rddreg [dreg:$0x5];
	s8 =	sadd.s32 s7, s16  }
0x19c: {  	[tilespmem:s29], [sflag:$0x4] =	stream.linear.gather [hbm4b:s8+s4], $0x50, $0x38;
	[tilespmem:$0x1B680] =	vst v63  }
.Ltmp0:
0x19d: {  	s10 =	simm.s32 $0x300;
	s7 =	sadd.s32 s7, s18;
	(pc) =	sbr.rel @p1 .LBB2_2-.Ltmp0, $4  }
0x19e: {  	[tilespmem:s30], [sflag:$0x4] =	stream.linear.gather [hbm4b:s7+s4], $0x50, $0x38;
	[tilespmem:$0x1B680] =	vst v63  }
0x19f: {  	s12 =	simm.s32 $0x380;
	s13 =	simm.s32 $0x100;
	_ =	swait.ge [sflag:s23], $0x2800  }
0x1a0: {  	s22 =	simm.s32 $0x400;
	s24 =	simm.s32 $0x180;
	[sflag:s23] =	ssyncset.done $0x0  }
0x1a1: {  	s8 =	simm.s32 $0x480;
	s30 =	simm.s32 $0x280;
	[sflag:s23] =	ssyncadd.s32 $0xFFFFD800  }
0x1a2: {  	s16 =	simm.s32 $0x5600;
	s3 =	rddreg [dreg:$0x2]  }
0x1a3: {  	[spmem:s3] =	stream.indirect.scatter.add.f32 [tilespmem:s16], [sflag:$0xC], $0x80, s1, s15, $0xb8;
	[tilespmem:$0x1B680] =	vst v63  }
0x1a4: {  	_ =	swait.ge [sflag:s6], $0x2800  }
0x1a5: {  	[sflag:s6] =	ssyncset.done $0x0  }
0x1a6: {  	[sflag:s6] =	ssyncadd.s32 $0xFFFFD800  }
0x1a7: {  	_ =	swait.ge [sflag:s20], $0x50  }
0x1a8: {  	[sflag:s20] =	ssyncset.done $0x0  }
0x1a9: {  	[sflag:s20] =	ssyncadd.s32 $0xFFFFFFB0  }
0x1aa: {  	_ =	swait.ge [sflag:s20], $0x50  }
0x1ab: {  	[sflag:s20] =	ssyncset.done $0x0  }
0x1ac: {  	s7 =	sld [smem:$0x7FC];
	[sflag:s20] =	ssyncadd.s32 $0xFFFFFFB0  }
0x1ad: {  	s1 =	rddreg [dreg:$0x0]  }
0x1ae: {  	[tilespmem:s16], [sflag:$0x9] =	stream.indirect.gather [hbm4b:s1+s15], $0x80, s13, s15, $0xb8;
	[tilespmem:$0x1B680] =	vst v63  }
0x1af: {  	s9 =	simm.s32 $0x200;
	s21 =	sld [smem:$0x7FD]  }
0x1b0: {  	[tilespmem:s9], [sflag:$0x5] =	stream.linear.gather [hbm4b:s7+s4], $0x50, $0x38;
	[tilespmem:$0x1B680] =	vst v63  }
0x1b1: {  	s29 =	simm.s32 $0x500  }
0x1b2: {  	[tilespmem:s29], [sflag:$0x5] =	stream.linear.gather [hbm4b:s21+s4], $0x50, $0x38;
	[tilespmem:$0x1B680] =	vst v63  }
0x1b3: {  	_ =	swait.ge [sflag:s25], $0x2800  }
0x1b4: {  	[sflag:s25] =	ssyncset.done $0x0  }
0x1b5: {  	s18 =	simm.s32 $0x600;
	[sflag:s25] =	ssyncadd.s32 $0xFFFFD800  }
0x1b6: {  	[spmem:s3] =	stream.indirect.scatter.add.f32 [tilespmem:s18], [sflag:$0xA], $0x80, s10, s15, $0xb8;
	[tilespmem:$0x1B680] =	vst v63  }
0x1b7: {  	_ =	swait.ge [sflag:s26], $0x2800  }
0x1b8: {  	[sflag:s26] =	ssyncset.done $0x0  }
0x1b9: {  	[sflag:s26] =	ssyncadd.s32 $0xFFFFD800  }
0x1ba: {  	_ =	swait.ge [sflag:s28], $0x50  }
0x1bb: {  	[sflag:s28] =	ssyncset.done $0x0  }
0x1bc: {  	[sflag:s28] =	ssyncadd.s32 $0xFFFFFFB0  }
0x1bd: {  	_ =	swait.ge [sflag:s28], $0x50  }
0x1be: {  	[sflag:s28] =	ssyncset.done $0x0  }
0x1bf: {  	[sflag:s28] =	ssyncadd.s32 $0xFFFFFFB0  }
0x1c0: {  	[tilespmem:s18], [sflag:$0x7] =	stream.indirect.gather [hbm4b:s1+s15], $0x80, s24, s15, $0xb8;
	[tilespmem:$0x1B680] =	vst v63  }
0x1c1: {  	_ =	swait.ge [sflag:s31], $0x2800  }
0x1c2: {  	[sflag:s31] =	ssyncset.done $0x0  }
0x1c3: {  	s19 =	simm.s32 $0x2E00;
	[sflag:s31] =	ssyncadd.s32 $0xFFFFD800  }
0x1c4: {  	[spmem:s3] =	stream.indirect.scatter.add.f32 [tilespmem:s19], [sflag:$0xB], $0x80, s12, s15, $0xb8;
	[tilespmem:$0x1B680] =	vst v63  }
0x1c5: {  	_ =	swait.ge [sflag:s2], $0x2800  }
0x1c6: {  	[sflag:s2] =	ssyncset.done $0x0  }
0x1c7: {  	[sflag:s2] =	ssyncadd.s32 $0xFFFFD800  }
0x1c8: {  	_ =	swait.ge [sflag:s0], $0x50  }
0x1c9: {  	[sflag:s0] =	ssyncset.done $0x0  }
0x1ca: {  	[sflag:s0] =	ssyncadd.s32 $0xFFFFFFB0  }
0x1cb: {  	_ =	swait.ge [sflag:s0], $0x50  }
0x1cc: {  	[sflag:s0] =	ssyncset.done $0x0  }
0x1cd: {  	[sflag:s0] =	ssyncadd.s32 $0xFFFFFFB0  }
0x1ce: {  	[tilespmem:s19], [sflag:$0x8] =	stream.indirect.gather [hbm4b:s1+s15], $0x80, s9, s15, $0xb8;
	[tilespmem:$0x1B680] =	vst v63  }
0x1cf: {  	_ =	swait.ge [sflag:s23], $0x2800  }
0x1d0: {  	[sflag:s23] =	ssyncset.done $0x0  }
0x1d1: {  	[sflag:s23] =	ssyncadd.s32 $0xFFFFD800  }
0x1d2: {  	[spmem:s3] =	stream.indirect.scatter.add.f32 [tilespmem:s16], [sflag:$0xC], $0x80, s22, s15, $0xb8;
	[tilespmem:$0x1B680] =	vst v63  }
0x1d3: {  	_ =	swait.ge [sflag:s6], $0x2800  }
0x1d4: {  	[sflag:s6] =	ssyncset.done $0x0  }
0x1d5: {  	[sflag:s6] =	ssyncadd.s32 $0xFFFFD800  }
0x1d6: {  	_ =	swait.ge [sflag:s25], $0x2800  }
0x1d7: {  	[sflag:s25] =	ssyncset.done $0x0  }
0x1d8: {  	[sflag:s25] =	ssyncadd.s32 $0xFFFFD800  }
0x1d9: {  	[spmem:s3] =	stream.indirect.scatter.add.f32 [tilespmem:s18], [sflag:$0xA], $0x80, s8, s15, $0xb8;
	[tilespmem:$0x1B680] =	vst v63  }
0x1da: {  	_ =	swait.ge [sflag:s26], $0x2800  }
0x1db: {  	[sflag:s26] =	ssyncset.done $0x0  }
0x1dc: {  	[sflag:s26] =	ssyncadd.s32 $0xFFFFD800  }
0x1dd: {  	_ =	swait.ge [sflag:s31], $0x2800  }
0x1de: {  	[sflag:s31] =	ssyncset.done $0x0  }
0x1df: {  	[sflag:s31] =	ssyncadd.s32 $0xFFFFD800  }
0x1e0: {  	[spmem:s3] =	stream.indirect.scatter.add.f32 [tilespmem:s19], [sflag:$0xB], $0x80, s29, s15, $0xb8;
	[tilespmem:$0x1B680] =	vst v63  }
0x1e1: {  	_ =	swait.ge [sflag:s2], $0x2800  }
0x1e2: {  	[sflag:s2] =	ssyncset.done $0x0  }
0x1e3: {  	[sflag:s2] =	ssyncadd.s32 $0xFFFFD800  }
0x1e4: {  	[bflag:$0x0] =	sbarrier.arrive $0xFFFF  }
0x1e5: {  	s21 =	sld [smem:$0x7F6]  }
0x1e6: {  	s1 =	sld [smem:$0x7F0]  }
0x1e7: {  	s22 =	sld [smem:$0x7EF];
	_ =	sdelay $0x1  }
0x1e8: {  	s19 =	simm.s32 $0xD  }
0x1e9: {  	[hbm:s21], [sflag:s1] =	dma.local [spmem:s22], $0x2700  }
0x1ea: {  	_ =	swait.ge [sflag:s19], $0x2700  }
0x1eb: {  	s7 =	sld [smem:$0x7F5]  }
0x1ec: {  	s3 =	sld [smem:$0x7F1]  }
0x1ed: {  	[sflag:s19] =	ssyncset.done $0x0  }
0x1ee: {  	[sflag:s19] =	ssyncadd.s32 $0xFFFFD900;
	s7 =	sadd.s32 @!p0 $0x27000, s7  }
0x1ef: {  	[hbm:s7], [sflag:s1] =	dma.local @!p0 [spmem:s3], $0x100  }
0x1f0: {  	s7 =	simm.s32 @!p0 $0xD  }
0x1f1: {  	_ =	swait.ge @!p0 [sflag:s7], $0x100  }
0x1f2: {  	s24 =	sld [smem:$0x7EE]  }
0x1f3: {  	s29 =	sld [smem:$0x7F4];
	_ =	sdelay $0x1  }
0x1f4: {  	s3 =	sadd.s32 $0x1, s24  }
0x1f5: {  	p1 =	sne.s32 s3, s29  }
.Ltmp1:
0x1f6: {  	_ = 	snop;
	(pc) =	sbr.rel @p1 .LBB2_1-.Ltmp1, $3  }
0x1f7: {  	_ =	sdelay $0x1  }
0x1f8: {  	[sflag:s7] =	ssyncset.done @!p0 $0x0  }
0x1f9: {  	s1 =	simm.s32 $0x1;
	[sflag:s7] =	ssyncadd.s32 @!p0 $0xFFFFFF00  }
0x1fa: {  	_ =	sfence.sel $0x180000  }
0x1fb: {  	[bflag:$0x0] =	sbarrier.arrive $0xFFFF  }
0x1fc: {  	_ =	strace $0x90000047  }
0x1fd: {  	s0 =	stileid.u32;
	[bflag:$0x2] =	sbarrier.arrive $0xFFFF  }
0x1fe: {  	p0 =	sne.s32 s0, $0x0;
	s0 =	rddreg [dreg:$0x3]  }
0x1ff: {  	s0 =	sadd.s32 @!p0 $0x100000, s0  }
0x200: {  	[sflag:s0] =	ssyncadd.tile.s32 @!p0 $0x1;
	_ =	shalt  }
.Lfunc_end2:
_tile_overlayer_lowered:
.L_overlay_start_2:
0x201: {  	(tag) =	ssettag $0x2  }
0x202: {  	s0 =	rddreg [dreg:$0x0];
	s2 =	stileid.u32  }
0x203: {  	s1 =	rddreg [dreg:$0x1];
	p0 =	sne.s32 s2, $0x0  }
0x204: {  	s3 =	rddreg [dreg:$0x2];
	[bflag:$0x3] =	sbarrier.arrive $0xFFFF;
	s2 =	simm.s32 @!p0 $0x1C0D  }
0x205: {  	[timem:s3], [sflag:s2] =	dma.local @!p0 [hbm:s0], s1  }
0x206: {  	s0 =	simm.s32 @!p0 $0xD  }
0x207: {  	_ =	swait.ge @!p0 [sflag:s0], s1  }
0x208: {  	s1 =	ssub.s32 @!p0 $0x0, s1;
	[sflag:s0] =	ssyncset.done @!p0 $0x0  }
0x209: {  	[sflag:s0] =	ssyncadd.s32 @!p0 s1  }
0x20a: {  	[bflag:$0x3] =	sbarrier.arrive $0xFFFF  }
0x20b: {  	_ =	shalt  }

</sc_bundles>
